<compile_context>
chip_gen: v7x
topology: tpu7x:2x2x1
jax: 0.10.2.dev20260603
libtpu: 0.0.44.dev20260713+nightly
codegen_flags: <defaults>
</compile_context>

<pallas_src>
import functools

import jax
import jax.numpy as jnp
from jax import lax
from jax.experimental import pallas as pl
from jax.experimental.pallas import tpu as pltpu
from jax.experimental.pallas import tpu_sc as plsc

L = 16
BLK = 128
CHUNK = 4096
NW = 32


def _nearest(x, scale):
    x01 = (x + 1.0) * 0.5
    xf = x01 * scale
    x0 = xf.astype(jnp.int32)
    frac = xf - x0.astype(jnp.float32)
    xi = jnp.where(frac >= 0.5, x0 + 1, x0)
    return jnp.minimum(xi, 4095)


def _tex_kernel(n_queries, h, w, uv_hbm, tex_hbm, out_hbm,
                uv0, uv1, idx0, idx1, ob0, ob1,
                sem_in, sem_g, sem_out0, sem_out1):
    nc = 2
    wid = lax.axis_index("s") * nc + lax.axis_index("c")
    per_w = n_queries // NW
    n_chunks = per_w // CHUNK
    plane = h * w
    sets = ((uv0, idx0, ob0, sem_out0), (uv1, idx1, ob1, sem_out1))

    def q0_of(g):
        return wid * per_w + g * CHUNK

    def in_start(g, p):
        uv = sets[p][0]
        pltpu.async_copy(uv_hbm.at[pl.ds(2 * q0_of(g), 2 * CHUNK)], uv, sem_in)

    def in_wait(p):
        uv = sets[p][0]
        pltpu.make_async_copy(uv_hbm.at[pl.ds(0, 2 * CHUNK)], uv, sem_in).wait()

    def comp(p):
        uv, idx = sets[p][0], sets[p][1]

        def body(j, c):
            boff = (j >> 3) * (2 * BLK) + (j & 7) * L
            u = uv[pl.ds(boff, L)]
            v = uv[pl.ds(boff + BLK, L)]
            iu = _nearest(u, float(w - 1))
            iv = _nearest(v, float(h - 1))
            addr = (((iu >> 3) << 15) | ((iv >> 7) << 10)
                    | ((iu & 7) << 7) | (iv & 127))
            off = j * L
            idx[0, pl.ds(off, L)] = addr
            idx[1, pl.ds(off, L)] = addr + plane
            idx[2, pl.ds(off, L)] = addr + 2 * plane
            return c

        lax.fori_loop(0, CHUNK // L, body, 0)

    def gather_start(p):
        idx, ob = sets[p][1], sets[p][2]

        def fire(b, c):
            for ch in range(3):
                pltpu.async_copy(
                    tex_hbm.at[idx.at[ch, pl.ds(b * BLK, BLK)]],
                    ob.at[pl.ds(b * 4 * BLK + ch * BLK, BLK)], sem_g)
            return c

        lax.fori_loop(0, CHUNK // BLK, fire, 0)

    def gather_wait(p):
        ob = sets[p][2]
        pltpu.make_async_copy(tex_hbm.at[pl.ds(0, 3 * CHUNK)],
                              ob.at[pl.ds(0, 3 * CHUNK)], sem_g).wait()

    def out_start(g, p):
        ob, sem = sets[p][2], sets[p][3]
        pltpu.async_copy(ob, out_hbm.at[pl.ds(4 * q0_of(g), 4 * CHUNK)], sem)

    def out_wait(p):
        ob, sem = sets[p][2], sets[p][3]
        pltpu.make_async_copy(ob, out_hbm.at[pl.ds(0, 4 * CHUNK)], sem).wait()

    in_start(0, 0)
    in_wait(0)
    in_start(1, 1)
    comp(0)
    gather_start(0)

    in_start(2, 0)
    in_wait(1)
    comp(1)
    gather_wait(0)
    out_start(0, 0)
    gather_start(1)

    def steady(t, carry):
        for p in (0, 1):
            gk = 2 * t + p
            in_start(jnp.minimum(gk + 1, n_chunks - 1), 1 - p)
            in_wait(p)
            comp(p)
            gather_wait(1 - p)
            out_start(gk - 1, 1 - p)
            out_wait(p)
            gather_start(p)
        return carry

    lax.fori_loop(1, n_chunks // 2, steady, 0)

    gather_wait(1)
    out_start(n_chunks - 1, 1)
    out_wait(0)
    out_wait(1)
    in_wait(0)


def kernel(uvs, texture):
    n = uvs.shape[0]
    h, w, _ = texture.shape
    nblk = n // BLK
    uv_lin = uvs.reshape(nblk, BLK, 2).transpose(0, 2, 1).reshape(2 * n)
    tex_lin = (texture.transpose(2, 0, 1)
               .reshape(3, h // 8, 8, w // 128, 128)
               .transpose(0, 1, 3, 2, 4)
               .reshape(3 * h * w))

    mesh = plsc.VectorSubcoreMesh(core_axis_name="c", subcore_axis_name="s")
    run = functools.partial(
        pl.kernel,
        mesh=mesh,
        out_type=jax.ShapeDtypeStruct((4 * n,), jnp.float32),
        scratch_types=[
            pltpu.VMEM((2 * CHUNK,), jnp.float32),
            pltpu.VMEM((2 * CHUNK,), jnp.float32),
            pltpu.VMEM((3, CHUNK), jnp.int32),
            pltpu.VMEM((3, CHUNK), jnp.int32),
            pltpu.VMEM((4 * CHUNK,), jnp.float32),
            pltpu.VMEM((4 * CHUNK,), jnp.float32),
            pltpu.SemaphoreType.DMA,
            pltpu.SemaphoreType.DMA,
            pltpu.SemaphoreType.DMA,
            pltpu.SemaphoreType.DMA,
        ],
        compiler_params=pltpu.CompilerParams(use_tc_tiling_on_sc=False),
    )(functools.partial(_tex_kernel, n, h, w))
    out_lin = run(uv_lin, tex_lin)
    return (out_lin.reshape(nblk, 4, BLK)[:, :3, :]
            .transpose(0, 2, 1).reshape(n, 3))

# --- scband reference (transcript-rebuilt; emitter-appended) ---
"""Pipeline reference for scband-texture-5677946765463 (READ-ONLY COPY).

The authoritative reference and input builder live on the scoring server;
editing this copy changes nothing except your own understanding.
"""

import jax, jax.numpy as jnp
import numpy as np

H = 4096
W = 4096
N = 2097152

def setup_inputs(seed: int = 0) -> dict:
    key = jax.random.key(seed)
    k1, k2 = jax.random.split(key)
    # uvs in [0,1) -> after (uvs+1)/2 maps to [0.5,1), all indices valid
    uvs = jax.random.uniform(k1, (N, 2), dtype=jnp.float32)
    # learned texture parameter [H, W, 3] (set_gaussian with mean=0, sig=1)
    texture = jax.random.normal(k2, (H, W, 3), dtype=jnp.float32)
    return {"uvs": uvs, "texture": texture}

def reference(uvs, texture):
    height, width = texture.shape[0], texture.shape[1]
    uvs = (uvs + 1.0) / 2.0
    u = uvs[:, 0] * (width - 1)
    v = uvs[:, 1] * (height - 1)
    us_0 = jnp.floor(u).astype(jnp.int32)
    us_1 = jnp.ceil(u).astype(jnp.int32)
    vs_0 = jnp.floor(v).astype(jnp.int32)
    vs_1 = jnp.ceil(v).astype(jnp.int32)
    a = (u - us_0).reshape(-1, 1)
    b = (v - vs_0).reshape(-1, 1)
    a = jnp.where(a < 0.5, 0.0, 1.0)
    b = jnp.where(b < 0.5, 0.0, 1.0)
    us_0 = jnp.where(us_0 >= width, width - 1, us_0)
    us_1 = jnp.where(us_1 >= width, width - 1, us_1)
    vs_0 = jnp.where(vs_0 >= height, height - 1, vs_0)
    vs_1 = jnp.where(vs_1 >= height, height - 1, vs_1)
    colors = (texture[us_0, vs_0, :] * (1 - a) * (1 - b)
              + texture[us_1, vs_0, :] * a * (1 - b)
              + texture[us_0, vs_1, :] * (1 - a) * b
              + texture[us_1, vs_1, :] * a * b)
    return colors

if __name__ == "__main__":
    import jax
    _d = setup_inputs()
    print(jax.jit(kernel)(*tuple(_d.values())))

</pallas_src>

<mosaic_0001>
#map = affine_map<(d0, d1) -> (0)>
module attributes {stable_mosaic.version = 14 : i64} {
  func.func @_tex_kernel(%arg0: i32, %arg1: i32, %arg2: memref<4194304xf32, #tpu.memory_space<hbm>>, %arg3: memref<50331648xf32, #tpu.memory_space<hbm>>, %arg4: memref<8388608xf32, #tpu.memory_space<hbm>>, %arg5: memref<8192xf32, #tpu.memory_space<vmem>>, %arg6: memref<8192xf32, #tpu.memory_space<vmem>>, %arg7: memref<3x4096xi32, #tpu.memory_space<vmem>>, %arg8: memref<3x4096xi32, #tpu.memory_space<vmem>>, %arg9: memref<16384xf32, #tpu.memory_space<vmem>>, %arg10: memref<16384xf32, #tpu.memory_space<vmem>>, %arg11: memref<!tpu.dma_semaphore, #tpu.memory_space<semaphore_mem>>, %arg12: memref<!tpu.dma_semaphore, #tpu.memory_space<semaphore_mem>>, %arg13: memref<!tpu.dma_semaphore, #tpu.memory_space<semaphore_mem>>, %arg14: memref<!tpu.dma_semaphore, #tpu.memory_space<semaphore_mem>>) attributes {dimension_semantics = [#tpu.dimension_semantics<core_parallel>, #tpu.dimension_semantics<subcore_parallel>], iteration_bounds = array<i64: 2, 16>, scalar_prefetch = 0 : i64, scratch_operands = 10 : i64, tpu.core_type = #tpu.core_type<sc_vector_subcore>, window_params = [{transform_indices = #map}, {transform_indices = #map}, {transform_indices = #map}]} {
    %mul3A = arith.constant 2 : i32
    %mul3A_0 = arith.muli %arg1, %mul3A : i32
    %add3A = arith.addi %mul3A_0, %arg0 : i32
    %mul3A_1 = arith.constant 65536 : i32
    %mul3A_2 = arith.muli %add3A, %mul3A_1 : i32
    %add3A_3 = arith.constant 0 : i32
    %add3A_4 = arith.addi %mul3A_2, %add3A_3 : i32
    %mul3A_5 = arith.constant 2 : i32
    %mul3A_6 = arith.muli %mul3A_5, %add3A_4 : i32
    %dma_start3A = tpu.memref_slice %arg2[%mul3A_6] : memref<4194304xf32, #tpu.memory_space<hbm>> -> memref<8192xf32, #tpu.memory_space<hbm>>
    %dma_start3A_7 = tpu.memref_slice %arg2[%mul3A_6] : memref<4194304xf32, #tpu.memory_space<hbm>> -> memref<8192xf32, #tpu.memory_space<hbm>>
    tpu.enqueue_dma source(%dma_start3A_7 : memref<8192xf32, #tpu.memory_space<hbm>>) target(%arg5 : memref<8192xf32, #tpu.memory_space<vmem>>) target_semaphore(%arg11 : memref<!tpu.dma_semaphore, #tpu.memory_space<semaphore_mem>>)
    %dma_wait3A = arith.constant 0 : i32
    %dma_wait3A_8 = tpu.memref_slice %arg2[%dma_wait3A] : memref<4194304xf32, #tpu.memory_space<hbm>> -> memref<8192xf32, #tpu.memory_space<hbm>>
    %dma_wait3A_9 = arith.constant 0 : i32
    %dma_wait3A_10 = tpu.memref_slice %arg2[%dma_wait3A_9] : memref<4194304xf32, #tpu.memory_space<hbm>> -> memref<8192xf32, #tpu.memory_space<hbm>>
    tpu.wait_dma2 semaphore(%arg11 : memref<!tpu.dma_semaphore, #tpu.memory_space<semaphore_mem>>) src(%dma_wait3A_10 : memref<8192xf32, #tpu.memory_space<hbm>>) dst(%arg5 : memref<8192xf32, #tpu.memory_space<vmem>>)
    %mul3A_11 = arith.constant 65536 : i32
    %mul3A_12 = arith.muli %add3A, %mul3A_11 : i32
    %add3A_13 = arith.constant 4096 : i32
    %add3A_14 = arith.addi %mul3A_12, %add3A_13 : i32
    %mul3A_15 = arith.constant 2 : i32
    %mul3A_16 = arith.muli %mul3A_15, %add3A_14 : i32
    %dma_start3A_17 = tpu.memref_slice %arg2[%mul3A_16] : memref<4194304xf32, #tpu.memory_space<hbm>> -> memref<8192xf32, #tpu.memory_space<hbm>>
    %dma_start3A_18 = tpu.memref_slice %arg2[%mul3A_16] : memref<4194304xf32, #tpu.memory_space<hbm>> -> memref<8192xf32, #tpu.memory_space<hbm>>
    tpu.enqueue_dma source(%dma_start3A_18 : memref<8192xf32, #tpu.memory_space<hbm>>) target(%arg6 : memref<8192xf32, #tpu.memory_space<vmem>>) target_semaphore(%arg11 : memref<!tpu.dma_semaphore, #tpu.memory_space<semaphore_mem>>)
    %scan3A = arith.constant 0 : i32
    %scan3A_19 = arith.constant 0 : i32
    %scan3A_20 = arith.constant 256 : i32
    %scan3A_21 = arith.addi %scan3A_19, %scan3A_20 : i32
    %scan3A_22 = arith.constant 1 : i32
    scf.for %scan3A_104 = %scan3A_19 to %scan3A_21 step %scan3A_22  : i32 {
      %shift_right_arithmetic3A = arith.constant 3 : i32
      %shift_right_arithmetic3A_105 = arith.shrsi %scan3A_104, %shift_right_arithmetic3A : i32
      %mul3A_106 = arith.constant 256 : i32
      %mul3A_107 = arith.muli %shift_right_arithmetic3A_105, %mul3A_106 : i32
      %and3A = arith.constant 7 : i32
      %and3A_108 = arith.andi %scan3A_104, %and3A : i32
      %mul3A_109 = arith.constant 16 : i32
      %mul3A_110 = arith.muli %and3A_108, %mul3A_109 : i32
      %add3A_111 = arith.addi %mul3A_107, %mul3A_110 : i32
      %get3A = arith.index_cast %add3A_111 : i32 to index
      %get3A_112 = tpu.vector_load %arg5[%get3A] {strides = array<i32>} : memref<8192xf32, #tpu.memory_space<vmem>>, vector<16xf32>,
      %get3A_113 = vector.shape_cast %get3A_112 : vector<16xf32> to vector<16xf32>
      %add3A_114 = arith.constant 128 : i32
      %add3A_115 = arith.addi %add3A_111, %add3A_114 : i32
      %get3A_116 = arith.index_cast %add3A_115 : i32 to index
      %get3A_117 = tpu.vector_load %arg5[%get3A_116] {strides = array<i32>} : memref<8192xf32, #tpu.memory_space<vmem>>, vector<16xf32>,
      %get3A_118 = vector.shape_cast %get3A_117 : vector<16xf32> to vector<16xf32>
      %add3A_119 = arith.constant 1.000000e+00 : f32
      %add3A_120 = vector.broadcast %add3A_119 : f32 to vector<16xf32>
      %add3A_121 = arith.addf %get3A_113, %add3A_120 : vector<16xf32>
      %mul3A_122 = arith.constant 5.000000e-01 : f32
      %mul3A_123 = vector.broadcast %mul3A_122 : f32 to vector<16xf32>
      %mul3A_124 = arith.mulf %add3A_121, %mul3A_123 : vector<16xf32>
      %mul3A_125 = arith.constant 4.095000e+03 : f32
      %mul3A_126 = vector.broadcast %mul3A_125 : f32 to vector<16xf32>
      %mul3A_127 = arith.mulf %mul3A_124, %mul3A_126 : vector<16xf32>
      %convert_element_type3A = arith.fptosi %mul3A_127 : vector<16xf32> to vector<16xi32>
      %convert_element_type3A_128 = arith.sitofp %convert_element_type3A : vector<16xi32> to vector<16xf32>
      %sub3A = arith.subf %mul3A_127, %convert_element_type3A_128 : vector<16xf32>
      %ge3A = arith.constant 5.000000e-01 : f32
      %ge3A_129 = vector.broadcast %ge3A : f32 to vector<16xf32>
      %ge3A_130 = arith.cmpf oge, %sub3A, %ge3A_129 : vector<16xf32>
      %add3A_131 = arith.constant 1 : i32
      %add3A_132 = vector.broadcast %add3A_131 : i32 to vector<16xi32>
      %add3A_133 = arith.addi %convert_element_type3A, %add3A_132 : vector<16xi32>
      %select_n3A = arith.select %ge3A_130, %add3A_133, %convert_element_type3A : vector<16xi1>, vector<16xi32>
      %min3A = arith.constant 4095 : i32
      %min3A_134 = vector.broadcast %min3A : i32 to vector<16xi32>
      %min3A_135 = arith.minsi %select_n3A, %min3A_134 : vector<16xi32>
      %add3A_136 = arith.constant 1.000000e+00 : f32
      %add3A_137 = vector.broadcast %add3A_136 : f32 to vector<16xf32>
      %add3A_138 = arith.addf %get3A_118, %add3A_137 : vector<16xf32>
      %mul3A_139 = arith.constant 5.000000e-01 : f32
      %mul3A_140 = vector.broadcast %mul3A_139 : f32 to vector<16xf32>
      %mul3A_141 = arith.mulf %add3A_138, %mul3A_140 : vector<16xf32>
      %mul3A_142 = arith.constant 4.095000e+03 : f32
      %mul3A_143 = vector.broadcast %mul3A_142 : f32 to vector<16xf32>
      %mul3A_144 = arith.mulf %mul3A_141, %mul3A_143 : vector<16xf32>
      %convert_element_type3A_145 = arith.fptosi %mul3A_144 : vector<16xf32> to vector<16xi32>
      %convert_element_type3A_146 = arith.sitofp %convert_element_type3A_145 : vector<16xi32> to vector<16xf32>
      %sub3A_147 = arith.subf %mul3A_144, %convert_element_type3A_146 : vector<16xf32>
      %ge3A_148 = arith.constant 5.000000e-01 : f32
      %ge3A_149 = vector.broadcast %ge3A_148 : f32 to vector<16xf32>
      %ge3A_150 = arith.cmpf oge, %sub3A_147, %ge3A_149 : vector<16xf32>
      %add3A_151 = arith.constant 1 : i32
      %add3A_152 = vector.broadcast %add3A_151 : i32 to vector<16xi32>
      %add3A_153 = arith.addi %convert_element_type3A_145, %add3A_152 : vector<16xi32>
      %select_n3A_154 = arith.select %ge3A_150, %add3A_153, %convert_element_type3A_145 : vector<16xi1>, vector<16xi32>
      %min3A_155 = arith.constant 4095 : i32
      %min3A_156 = vector.broadcast %min3A_155 : i32 to vector<16xi32>
      %min3A_157 = arith.minsi %select_n3A_154, %min3A_156 : vector<16xi32>
      %shift_right_arithmetic3A_158 = arith.constant 3 : i32
      %shift_right_arithmetic3A_159 = vector.broadcast %shift_right_arithmetic3A_158 : i32 to vector<16xi32>
      %shift_right_arithmetic3A_160 = arith.shrsi %min3A_135, %shift_right_arithmetic3A_159 : vector<16xi32>
      %shift_left3A = arith.constant 15 : i32
      %shift_left3A_161 = vector.broadcast %shift_left3A : i32 to vector<16xi32>
      %shift_left3A_162 = arith.shli %shift_right_arithmetic3A_160, %shift_left3A_161 : vector<16xi32>
      %shift_right_arithmetic3A_163 = arith.constant 7 : i32
      %shift_right_arithmetic3A_164 = vector.broadcast %shift_right_arithmetic3A_163 : i32 to vector<16xi32>
      %shift_right_arithmetic3A_165 = arith.shrsi %min3A_157, %shift_right_arithmetic3A_164 : vector<16xi32>
      %shift_left3A_166 = arith.constant 10 : i32
      %shift_left3A_167 = vector.broadcast %shift_left3A_166 : i32 to vector<16xi32>
      %shift_left3A_168 = arith.shli %shift_right_arithmetic3A_165, %shift_left3A_167 : vector<16xi32>
      %or3A = arith.ori %shift_left3A_162, %shift_left3A_168 : vector<16xi32>
      %and3A_169 = arith.constant 7 : i32
      %and3A_170 = vector.broadcast %and3A_169 : i32 to vector<16xi32>
      %and3A_171 = arith.andi %min3A_135, %and3A_170 : vector<16xi32>
      %shift_left3A_172 = arith.constant 7 : i32
      %shift_left3A_173 = vector.broadcast %shift_left3A_172 : i32 to vector<16xi32>
      %shift_left3A_174 = arith.shli %and3A_171, %shift_left3A_173 : vector<16xi32>
      %or3A_175 = arith.ori %or3A, %shift_left3A_174 : vector<16xi32>
      %and3A_176 = arith.constant 127 : i32
      %and3A_177 = vector.broadcast %and3A_176 : i32 to vector<16xi32>
      %and3A_178 = arith.andi %min3A_157, %and3A_177 : vector<16xi32>
      %or3A_179 = arith.ori %or3A_175, %and3A_178 : vector<16xi32>
      %mul3A_180 = arith.constant 16 : i32
      %mul3A_181 = arith.muli %scan3A_104, %mul3A_180 : i32
      %swap3A = arith.constant 0 : i32
      %swap3A_182 = arith.index_cast %swap3A : i32 to index
      %swap3A_183 = arith.index_cast %mul3A_181 : i32 to index
      %swap3A_184 = tpu.vector_load %arg7[%swap3A_182, %swap3A_183] {strides = array<i32>} : memref<3x4096xi32, #tpu.memory_space<vmem>>, vector<1x16xi32>,
      %swap3A_185 = vector.shape_cast %swap3A_184 : vector<1x16xi32> to vector<16xi32>
      %swap3A_186 = vector.shape_cast %or3A_179 : vector<16xi32> to vector<1x16xi32>
      tpu.vector_store %arg7[%swap3A_182, %swap3A_183], %swap3A_186 {strides = array<i32>} : memref<3x4096xi32, #tpu.memory_space<vmem>>, vector<1x16xi32>,
      %add3A_187 = arith.constant 16777216 : i32
      %add3A_188 = vector.broadcast %add3A_187 : i32 to vector<16xi32>
      %add3A_189 = arith.addi %or3A_179, %add3A_188 : vector<16xi32>
      %swap3A_190 = arith.constant 1 : i32
      %swap3A_191 = arith.index_cast %swap3A_190 : i32 to index
      %swap3A_192 = arith.index_cast %mul3A_181 : i32 to index
      %swap3A_193 = tpu.vector_load %arg7[%swap3A_191, %swap3A_192] {strides = array<i32>} : memref<3x4096xi32, #tpu.memory_space<vmem>>, vector<1x16xi32>,
      %swap3A_194 = vector.shape_cast %swap3A_193 : vector<1x16xi32> to vector<16xi32>
      %swap3A_195 = vector.shape_cast %add3A_189 : vector<16xi32> to vector<1x16xi32>
      tpu.vector_store %arg7[%swap3A_191, %swap3A_192], %swap3A_195 {strides = array<i32>} : memref<3x4096xi32, #tpu.memory_space<vmem>>, vector<1x16xi32>,
      %add3A_196 = arith.constant 33554432 : i32
      %add3A_197 = vector.broadcast %add3A_196 : i32 to vector<16xi32>
      %add3A_198 = arith.addi %or3A_179, %add3A_197 : vector<16xi32>
      %swap3A_199 = arith.constant 2 : i32
      %swap3A_200 = arith.index_cast %swap3A_199 : i32 to index
      %swap3A_201 = arith.index_cast %mul3A_181 : i32 to index
      %swap3A_202 = tpu.vector_load %arg7[%swap3A_200, %swap3A_201] {strides = array<i32>} : memref<3x4096xi32, #tpu.memory_space<vmem>>, vector<1x16xi32>,
      %swap3A_203 = vector.shape_cast %swap3A_202 : vector<1x16xi32> to vector<16xi32>
      %swap3A_204 = vector.shape_cast %add3A_198 : vector<16xi32> to vector<1x16xi32>
      tpu.vector_store %arg7[%swap3A_200, %swap3A_201], %swap3A_204 {strides = array<i32>} : memref<3x4096xi32, #tpu.memory_space<vmem>>, vector<1x16xi32>,
    }
    %scan3A_23 = arith.constant 256 : i32
    %scan3A_24 = arith.constant 0 : i32
    %scan3A_25 = arith.constant 0 : i32
    %scan3A_26 = arith.constant 32 : i32
    %scan3A_27 = arith.addi %scan3A_25, %scan3A_26 : i32
    %scan3A_28 = arith.constant 1 : i32
    scf.for %scan3A_104 = %scan3A_25 to %scan3A_27 step %scan3A_28  : i32 {
      %mul3A_105 = arith.constant 128 : i32
      %mul3A_106 = arith.muli %scan3A_104, %mul3A_105 : i32
      %mul3A_107 = arith.constant 4 : i32
      %mul3A_108 = arith.muli %scan3A_104, %mul3A_107 : i32
      %mul3A_109 = arith.constant 128 : i32
      %mul3A_110 = arith.muli %mul3A_108, %mul3A_109 : i32
      %add3A_111 = arith.constant 0 : i32
      %add3A_112 = arith.addi %mul3A_110, %add3A_111 : i32
      %dma_start3A_113 = arith.constant 0 : i32
      %dma_start3A_114 = tpu.memref_slice %arg9[%add3A_112] : memref<16384xf32, #tpu.memory_space<vmem>> -> memref<128xf32, #tpu.memory_space<vmem>>
      %dma_start3A_115 = tpu.memref_slice %arg7[%dma_start3A_113, %mul3A_106] : memref<3x4096xi32, #tpu.memory_space<vmem>> -> memref<1x128xi32, #tpu.memory_space<vmem>>
      %dma_start3A_116 = tpu.memref_squeeze %dma_start3A_115 : memref<1x128xi32, #tpu.memory_space<vmem>> -> memref<128xi32, #tpu.memory_space<vmem>>
      %dma_start3A_117 = arith.constant 0 : i32
      %dma_start3A_118 = tpu.memref_slice %arg3[%dma_start3A_117] : memref<50331648xf32, #tpu.memory_space<hbm>> -> memref<50331648xf32, #tpu.memory_space<hbm>>
      tpu.enqueue_indirect_dma source(%dma_start3A_118 : memref<50331648xf32, #tpu.memory_space<hbm>>) target(%dma_start3A_114 : memref<128xf32, #tpu.memory_space<vmem>>) offsets(%dma_start3A_116 : memref<128xi32, #tpu.memory_space<vmem>>) semaphore(%arg12 : memref<!tpu.dma_semaphore, #tpu.memory_space<semaphore_mem>>)
      %mul3A_119 = arith.constant 128 : i32
      %mul3A_120 = arith.muli %scan3A_104, %mul3A_119 : i32
      %mul3A_121 = arith.constant 4 : i32
      %mul3A_122 = arith.muli %scan3A_104, %mul3A_121 : i32
      %mul3A_123 = arith.constant 128 : i32
      %mul3A_124 = arith.muli %mul3A_122, %mul3A_123 : i32
      %add3A_125 = arith.constant 128 : i32
      %add3A_126 = arith.addi %mul3A_124, %add3A_125 : i32
      %dma_start3A_127 = arith.constant 1 : i32
      %dma_start3A_128 = tpu.memref_slice %arg9[%add3A_126] : memref<16384xf32, #tpu.memory_space<vmem>> -> memref<128xf32, #tpu.memory_space<vmem>>
      %dma_start3A_129 = tpu.memref_slice %arg7[%dma_start3A_127, %mul3A_120] : memref<3x4096xi32, #tpu.memory_space<vmem>> -> memref<1x128xi32, #tpu.memory_space<vmem>>
      %dma_start3A_130 = tpu.memref_squeeze %dma_start3A_129 : memref<1x128xi32, #tpu.memory_space<vmem>> -> memref<128xi32, #tpu.memory_space<vmem>>
      %dma_start3A_131 = arith.constant 0 : i32
      %dma_start3A_132 = tpu.memref_slice %arg3[%dma_start3A_131] : memref<50331648xf32, #tpu.memory_space<hbm>> -> memref<50331648xf32, #tpu.memory_space<hbm>>
      tpu.enqueue_indirect_dma source(%dma_start3A_132 : memref<50331648xf32, #tpu.memory_space<hbm>>) target(%dma_start3A_128 : memref<128xf32, #tpu.memory_space<vmem>>) offsets(%dma_start3A_130 : memref<128xi32, #tpu.memory_space<vmem>>) semaphore(%arg12 : memref<!tpu.dma_semaphore, #tpu.memory_space<semaphore_mem>>)
      %mul3A_133 = arith.constant 128 : i32
      %mul3A_134 = arith.muli %scan3A_104, %mul3A_133 : i32
      %mul3A_135 = arith.constant 4 : i32
      %mul3A_136 = arith.muli %scan3A_104, %mul3A_135 : i32
      %mul3A_137 = arith.constant 128 : i32
      %mul3A_138 = arith.muli %mul3A_136, %mul3A_137 : i32
      %add3A_139 = arith.constant 256 : i32
      %add3A_140 = arith.addi %mul3A_138, %add3A_139 : i32
      %dma_start3A_141 = arith.constant 2 : i32
      %dma_start3A_142 = tpu.memref_slice %arg9[%add3A_140] : memref<16384xf32, #tpu.memory_space<vmem>> -> memref<128xf32, #tpu.memory_space<vmem>>
      %dma_start3A_143 = tpu.memref_slice %arg7[%dma_start3A_141, %mul3A_134] : memref<3x4096xi32, #tpu.memory_space<vmem>> -> memref<1x128xi32, #tpu.memory_space<vmem>>
      %dma_start3A_144 = tpu.memref_squeeze %dma_start3A_143 : memref<1x128xi32, #tpu.memory_space<vmem>> -> memref<128xi32, #tpu.memory_space<vmem>>
      %dma_start3A_145 = arith.constant 0 : i32
      %dma_start3A_146 = tpu.memref_slice %arg3[%dma_start3A_145] : memref<50331648xf32, #tpu.memory_space<hbm>> -> memref<50331648xf32, #tpu.memory_space<hbm>>
      tpu.enqueue_indirect_dma source(%dma_start3A_146 : memref<50331648xf32, #tpu.memory_space<hbm>>) target(%dma_start3A_142 : memref<128xf32, #tpu.memory_space<vmem>>) offsets(%dma_start3A_144 : memref<128xi32, #tpu.memory_space<vmem>>) semaphore(%arg12 : memref<!tpu.dma_semaphore, #tpu.memory_space<semaphore_mem>>)
    }
    %scan3A_29 = arith.constant 32 : i32
    %mul3A_30 = arith.constant 65536 : i32
    %mul3A_31 = arith.muli %add3A, %mul3A_30 : i32
    %add3A_32 = arith.constant 8192 : i32
    %add3A_33 = arith.addi %mul3A_31, %add3A_32 : i32
    %mul3A_34 = arith.constant 2 : i32
    %mul3A_35 = arith.muli %mul3A_34, %add3A_33 : i32
    %dma_start3A_36 = tpu.memref_slice %arg2[%mul3A_35] : memref<4194304xf32, #tpu.memory_space<hbm>> -> memref<8192xf32, #tpu.memory_space<hbm>>
    %dma_start3A_37 = tpu.memref_slice %arg2[%mul3A_35] : memref<4194304xf32, #tpu.memory_space<hbm>> -> memref<8192xf32, #tpu.memory_space<hbm>>
    tpu.enqueue_dma source(%dma_start3A_37 : memref<8192xf32, #tpu.memory_space<hbm>>) target(%arg5 : memref<8192xf32, #tpu.memory_space<vmem>>) target_semaphore(%arg11 : memref<!tpu.dma_semaphore, #tpu.memory_space<semaphore_mem>>)
    %dma_wait3A_38 = arith.constant 0 : i32
    %dma_wait3A_39 = tpu.memref_slice %arg2[%dma_wait3A_38] : memref<4194304xf32, #tpu.memory_space<hbm>> -> memref<8192xf32, #tpu.memory_space<hbm>>
    %dma_wait3A_40 = arith.constant 0 : i32
    %dma_wait3A_41 = tpu.memref_slice %arg2[%dma_wait3A_40] : memref<4194304xf32, #tpu.memory_space<hbm>> -> memref<8192xf32, #tpu.memory_space<hbm>>
    tpu.wait_dma2 semaphore(%arg11 : memref<!tpu.dma_semaphore, #tpu.memory_space<semaphore_mem>>) src(%dma_wait3A_41 : memref<8192xf32, #tpu.memory_space<hbm>>) dst(%arg6 : memref<8192xf32, #tpu.memory_space<vmem>>)
    %scan3A_42 = arith.constant 0 : i32
    %scan3A_43 = arith.constant 0 : i32
    %scan3A_44 = arith.constant 256 : i32
    %scan3A_45 = arith.addi %scan3A_43, %scan3A_44 : i32
    %scan3A_46 = arith.constant 1 : i32
    scf.for %scan3A_104 = %scan3A_43 to %scan3A_45 step %scan3A_46  : i32 {
      %shift_right_arithmetic3A = arith.constant 3 : i32
      %shift_right_arithmetic3A_105 = arith.shrsi %scan3A_104, %shift_right_arithmetic3A : i32
      %mul3A_106 = arith.constant 256 : i32
      %mul3A_107 = arith.muli %shift_right_arithmetic3A_105, %mul3A_106 : i32
      %and3A = arith.constant 7 : i32
      %and3A_108 = arith.andi %scan3A_104, %and3A : i32
      %mul3A_109 = arith.constant 16 : i32
      %mul3A_110 = arith.muli %and3A_108, %mul3A_109 : i32
      %add3A_111 = arith.addi %mul3A_107, %mul3A_110 : i32
      %get3A = arith.index_cast %add3A_111 : i32 to index
      %get3A_112 = tpu.vector_load %arg6[%get3A] {strides = array<i32>} : memref<8192xf32, #tpu.memory_space<vmem>>, vector<16xf32>,
      %get3A_113 = vector.shape_cast %get3A_112 : vector<16xf32> to vector<16xf32>
      %add3A_114 = arith.constant 128 : i32
      %add3A_115 = arith.addi %add3A_111, %add3A_114 : i32
      %get3A_116 = arith.index_cast %add3A_115 : i32 to index
      %get3A_117 = tpu.vector_load %arg6[%get3A_116] {strides = array<i32>} : memref<8192xf32, #tpu.memory_space<vmem>>, vector<16xf32>,
      %get3A_118 = vector.shape_cast %get3A_117 : vector<16xf32> to vector<16xf32>
      %add3A_119 = arith.constant 1.000000e+00 : f32
      %add3A_120 = vector.broadcast %add3A_119 : f32 to vector<16xf32>
      %add3A_121 = arith.addf %get3A_113, %add3A_120 : vector<16xf32>
      %mul3A_122 = arith.constant 5.000000e-01 : f32
      %mul3A_123 = vector.broadcast %mul3A_122 : f32 to vector<16xf32>
      %mul3A_124 = arith.mulf %add3A_121, %mul3A_123 : vector<16xf32>
      %mul3A_125 = arith.constant 4.095000e+03 : f32
      %mul3A_126 = vector.broadcast %mul3A_125 : f32 to vector<16xf32>
      %mul3A_127 = arith.mulf %mul3A_124, %mul3A_126 : vector<16xf32>
      %convert_element_type3A = arith.fptosi %mul3A_127 : vector<16xf32> to vector<16xi32>
      %convert_element_type3A_128 = arith.sitofp %convert_element_type3A : vector<16xi32> to vector<16xf32>
      %sub3A = arith.subf %mul3A_127, %convert_element_type3A_128 : vector<16xf32>
      %ge3A = arith.constant 5.000000e-01 : f32
      %ge3A_129 = vector.broadcast %ge3A : f32 to vector<16xf32>
      %ge3A_130 = arith.cmpf oge, %sub3A, %ge3A_129 : vector<16xf32>
      %add3A_131 = arith.constant 1 : i32
      %add3A_132 = vector.broadcast %add3A_131 : i32 to vector<16xi32>
      %add3A_133 = arith.addi %convert_element_type3A, %add3A_132 : vector<16xi32>
      %select_n3A = arith.select %ge3A_130, %add3A_133, %convert_element_type3A : vector<16xi1>, vector<16xi32>
      %min3A = arith.constant 4095 : i32
      %min3A_134 = vector.broadcast %min3A : i32 to vector<16xi32>
      %min3A_135 = arith.minsi %select_n3A, %min3A_134 : vector<16xi32>
      %add3A_136 = arith.constant 1.000000e+00 : f32
      %add3A_137 = vector.broadcast %add3A_136 : f32 to vector<16xf32>
      %add3A_138 = arith.addf %get3A_118, %add3A_137 : vector<16xf32>
      %mul3A_139 = arith.constant 5.000000e-01 : f32
      %mul3A_140 = vector.broadcast %mul3A_139 : f32 to vector<16xf32>
      %mul3A_141 = arith.mulf %add3A_138, %mul3A_140 : vector<16xf32>
      %mul3A_142 = arith.constant 4.095000e+03 : f32
      %mul3A_143 = vector.broadcast %mul3A_142 : f32 to vector<16xf32>
      %mul3A_144 = arith.mulf %mul3A_141, %mul3A_143 : vector<16xf32>
      %convert_element_type3A_145 = arith.fptosi %mul3A_144 : vector<16xf32> to vector<16xi32>
      %convert_element_type3A_146 = arith.sitofp %convert_element_type3A_145 : vector<16xi32> to vector<16xf32>
      %sub3A_147 = arith.subf %mul3A_144, %convert_element_type3A_146 : vector<16xf32>
      %ge3A_148 = arith.constant 5.000000e-01 : f32
      %ge3A_149 = vector.broadcast %ge3A_148 : f32 to vector<16xf32>
      %ge3A_150 = arith.cmpf oge, %sub3A_147, %ge3A_149 : vector<16xf32>
      %add3A_151 = arith.constant 1 : i32
      %add3A_152 = vector.broadcast %add3A_151 : i32 to vector<16xi32>
      %add3A_153 = arith.addi %convert_element_type3A_145, %add3A_152 : vector<16xi32>
      %select_n3A_154 = arith.select %ge3A_150, %add3A_153, %convert_element_type3A_145 : vector<16xi1>, vector<16xi32>
      %min3A_155 = arith.constant 4095 : i32
      %min3A_156 = vector.broadcast %min3A_155 : i32 to vector<16xi32>
      %min3A_157 = arith.minsi %select_n3A_154, %min3A_156 : vector<16xi32>
      %shift_right_arithmetic3A_158 = arith.constant 3 : i32
      %shift_right_arithmetic3A_159 = vector.broadcast %shift_right_arithmetic3A_158 : i32 to vector<16xi32>
      %shift_right_arithmetic3A_160 = arith.shrsi %min3A_135, %shift_right_arithmetic3A_159 : vector<16xi32>
      %shift_left3A = arith.constant 15 : i32
      %shift_left3A_161 = vector.broadcast %shift_left3A : i32 to vector<16xi32>
      %shift_left3A_162 = arith.shli %shift_right_arithmetic3A_160, %shift_left3A_161 : vector<16xi32>
      %shift_right_arithmetic3A_163 = arith.constant 7 : i32
      %shift_right_arithmetic3A_164 = vector.broadcast %shift_right_arithmetic3A_163 : i32 to vector<16xi32>
      %shift_right_arithmetic3A_165 = arith.shrsi %min3A_157, %shift_right_arithmetic3A_164 : vector<16xi32>
      %shift_left3A_166 = arith.constant 10 : i32
      %shift_left3A_167 = vector.broadcast %shift_left3A_166 : i32 to vector<16xi32>
      %shift_left3A_168 = arith.shli %shift_right_arithmetic3A_165, %shift_left3A_167 : vector<16xi32>
      %or3A = arith.ori %shift_left3A_162, %shift_left3A_168 : vector<16xi32>
      %and3A_169 = arith.constant 7 : i32
      %and3A_170 = vector.broadcast %and3A_169 : i32 to vector<16xi32>
      %and3A_171 = arith.andi %min3A_135, %and3A_170 : vector<16xi32>
      %shift_left3A_172 = arith.constant 7 : i32
      %shift_left3A_173 = vector.broadcast %shift_left3A_172 : i32 to vector<16xi32>
      %shift_left3A_174 = arith.shli %and3A_171, %shift_left3A_173 : vector<16xi32>
      %or3A_175 = arith.ori %or3A, %shift_left3A_174 : vector<16xi32>
      %and3A_176 = arith.constant 127 : i32
      %and3A_177 = vector.broadcast %and3A_176 : i32 to vector<16xi32>
      %and3A_178 = arith.andi %min3A_157, %and3A_177 : vector<16xi32>
      %or3A_179 = arith.ori %or3A_175, %and3A_178 : vector<16xi32>
      %mul3A_180 = arith.constant 16 : i32
      %mul3A_181 = arith.muli %scan3A_104, %mul3A_180 : i32
      %swap3A = arith.constant 0 : i32
      %swap3A_182 = arith.index_cast %swap3A : i32 to index
      %swap3A_183 = arith.index_cast %mul3A_181 : i32 to index
      %swap3A_184 = tpu.vector_load %arg8[%swap3A_182, %swap3A_183] {strides = array<i32>} : memref<3x4096xi32, #tpu.memory_space<vmem>>, vector<1x16xi32>,
      %swap3A_185 = vector.shape_cast %swap3A_184 : vector<1x16xi32> to vector<16xi32>
      %swap3A_186 = vector.shape_cast %or3A_179 : vector<16xi32> to vector<1x16xi32>
      tpu.vector_store %arg8[%swap3A_182, %swap3A_183], %swap3A_186 {strides = array<i32>} : memref<3x4096xi32, #tpu.memory_space<vmem>>, vector<1x16xi32>,
      %add3A_187 = arith.constant 16777216 : i32
      %add3A_188 = vector.broadcast %add3A_187 : i32 to vector<16xi32>
      %add3A_189 = arith.addi %or3A_179, %add3A_188 : vector<16xi32>
      %swap3A_190 = arith.constant 1 : i32
      %swap3A_191 = arith.index_cast %swap3A_190 : i32 to index
      %swap3A_192 = arith.index_cast %mul3A_181 : i32 to index
      %swap3A_193 = tpu.vector_load %arg8[%swap3A_191, %swap3A_192] {strides = array<i32>} : memref<3x4096xi32, #tpu.memory_space<vmem>>, vector<1x16xi32>,
      %swap3A_194 = vector.shape_cast %swap3A_193 : vector<1x16xi32> to vector<16xi32>
      %swap3A_195 = vector.shape_cast %add3A_189 : vector<16xi32> to vector<1x16xi32>
      tpu.vector_store %arg8[%swap3A_191, %swap3A_192], %swap3A_195 {strides = array<i32>} : memref<3x4096xi32, #tpu.memory_space<vmem>>, vector<1x16xi32>,
      %add3A_196 = arith.constant 33554432 : i32
      %add3A_197 = vector.broadcast %add3A_196 : i32 to vector<16xi32>
      %add3A_198 = arith.addi %or3A_179, %add3A_197 : vector<16xi32>
      %swap3A_199 = arith.constant 2 : i32
      %swap3A_200 = arith.index_cast %swap3A_199 : i32 to index
      %swap3A_201 = arith.index_cast %mul3A_181 : i32 to index
      %swap3A_202 = tpu.vector_load %arg8[%swap3A_200, %swap3A_201] {strides = array<i32>} : memref<3x4096xi32, #tpu.memory_space<vmem>>, vector<1x16xi32>,
      %swap3A_203 = vector.shape_cast %swap3A_202 : vector<1x16xi32> to vector<16xi32>
      %swap3A_204 = vector.shape_cast %add3A_198 : vector<16xi32> to vector<1x16xi32>
      tpu.vector_store %arg8[%swap3A_200, %swap3A_201], %swap3A_204 {strides = array<i32>} : memref<3x4096xi32, #tpu.memory_space<vmem>>, vector<1x16xi32>,
    }
    %scan3A_47 = arith.constant 256 : i32
    %dma_wait3A_48 = arith.constant 0 : i32
    %dma_wait3A_49 = tpu.memref_slice %arg9[%dma_wait3A_48] : memref<16384xf32, #tpu.memory_space<vmem>> -> memref<12288xf32, #tpu.memory_space<vmem>>
    %dma_wait3A_50 = arith.constant 0 : i32
    %dma_wait3A_51 = tpu.memref_slice %arg3[%dma_wait3A_50] : memref<50331648xf32, #tpu.memory_space<hbm>> -> memref<12288xf32, #tpu.memory_space<hbm>>
    %dma_wait3A_52 = arith.constant 0 : i32
    %dma_wait3A_53 = tpu.memref_slice %arg9[%dma_wait3A_52] : memref<16384xf32, #tpu.memory_space<vmem>> -> memref<12288xf32, #tpu.memory_space<vmem>>
    %dma_wait3A_54 = arith.constant 0 : i32
    %dma_wait3A_55 = tpu.memref_slice %arg3[%dma_wait3A_54] : memref<50331648xf32, #tpu.memory_space<hbm>> -> memref<12288xf32, #tpu.memory_space<hbm>>
    tpu.wait_dma2 semaphore(%arg12 : memref<!tpu.dma_semaphore, #tpu.memory_space<semaphore_mem>>) src(%dma_wait3A_55 : memref<12288xf32, #tpu.memory_space<hbm>>) dst(%dma_wait3A_53 : memref<12288xf32, #tpu.memory_space<vmem>>)
    %mul3A_56 = arith.constant 65536 : i32
    %mul3A_57 = arith.muli %add3A, %mul3A_56 : i32
    %add3A_58 = arith.constant 0 : i32
    %add3A_59 = arith.addi %mul3A_57, %add3A_58 : i32
    %mul3A_60 = arith.constant 4 : i32
    %mul3A_61 = arith.muli %mul3A_60, %add3A_59 : i32
    %dma_start3A_62 = tpu.memref_slice %arg4[%mul3A_61] : memref<8388608xf32, #tpu.memory_space<hbm>> -> memref<16384xf32, #tpu.memory_space<hbm>>
    %dma_start3A_63 = tpu.memref_slice %arg4[%mul3A_61] : memref<8388608xf32, #tpu.memory_space<hbm>> -> memref<16384xf32, #tpu.memory_space<hbm>>
    tpu.enqueue_dma source(%arg9 : memref<16384xf32, #tpu.memory_space<vmem>>) target(%dma_start3A_63 : memref<16384xf32, #tpu.memory_space<hbm>>) target_semaphore(%arg13 : memref<!tpu.dma_semaphore, #tpu.memory_space<semaphore_mem>>)
    %scan3A_64 = arith.constant 0 : i32
    %scan3A_65 = arith.constant 0 : i32
    %scan3A_66 = arith.constant 32 : i32
    %scan3A_67 = arith.addi %scan3A_65, %scan3A_66 : i32
    %scan3A_68 = arith.constant 1 : i32
    scf.for %scan3A_104 = %scan3A_65 to %scan3A_67 step %scan3A_68  : i32 {
      %mul3A_105 = arith.constant 128 : i32
      %mul3A_106 = arith.muli %scan3A_104, %mul3A_105 : i32
      %mul3A_107 = arith.constant 4 : i32
      %mul3A_108 = arith.muli %scan3A_104, %mul3A_107 : i32
      %mul3A_109 = arith.constant 128 : i32
      %mul3A_110 = arith.muli %mul3A_108, %mul3A_109 : i32
      %add3A_111 = arith.constant 0 : i32
      %add3A_112 = arith.addi %mul3A_110, %add3A_111 : i32
      %dma_start3A_113 = arith.constant 0 : i32
      %dma_start3A_114 = tpu.memref_slice %arg10[%add3A_112] : memref<16384xf32, #tpu.memory_space<vmem>> -> memref<128xf32, #tpu.memory_space<vmem>>
      %dma_start3A_115 = tpu.memref_slice %arg8[%dma_start3A_113, %mul3A_106] : memref<3x4096xi32, #tpu.memory_space<vmem>> -> memref<1x128xi32, #tpu.memory_space<vmem>>
      %dma_start3A_116 = tpu.memref_squeeze %dma_start3A_115 : memref<1x128xi32, #tpu.memory_space<vmem>> -> memref<128xi32, #tpu.memory_space<vmem>>
      %dma_start3A_117 = arith.constant 0 : i32
      %dma_start3A_118 = tpu.memref_slice %arg3[%dma_start3A_117] : memref<50331648xf32, #tpu.memory_space<hbm>> -> memref<50331648xf32, #tpu.memory_space<hbm>>
      tpu.enqueue_indirect_dma source(%dma_start3A_118 : memref<50331648xf32, #tpu.memory_space<hbm>>) target(%dma_start3A_114 : memref<128xf32, #tpu.memory_space<vmem>>) offsets(%dma_start3A_116 : memref<128xi32, #tpu.memory_space<vmem>>) semaphore(%arg12 : memref<!tpu.dma_semaphore, #tpu.memory_space<semaphore_mem>>)
      %mul3A_119 = arith.constant 128 : i32
      %mul3A_120 = arith.muli %scan3A_104, %mul3A_119 : i32
      %mul3A_121 = arith.constant 4 : i32
      %mul3A_122 = arith.muli %scan3A_104, %mul3A_121 : i32
      %mul3A_123 = arith.constant 128 : i32
      %mul3A_124 = arith.muli %mul3A_122, %mul3A_123 : i32
      %add3A_125 = arith.constant 128 : i32
      %add3A_126 = arith.addi %mul3A_124, %add3A_125 : i32
      %dma_start3A_127 = arith.constant 1 : i32
      %dma_start3A_128 = tpu.memref_slice %arg10[%add3A_126] : memref<16384xf32, #tpu.memory_space<vmem>> -> memref<128xf32, #tpu.memory_space<vmem>>
      %dma_start3A_129 = tpu.memref_slice %arg8[%dma_start3A_127, %mul3A_120] : memref<3x4096xi32, #tpu.memory_space<vmem>> -> memref<1x128xi32, #tpu.memory_space<vmem>>
      %dma_start3A_130 = tpu.memref_squeeze %dma_start3A_129 : memref<1x128xi32, #tpu.memory_space<vmem>> -> memref<128xi32, #tpu.memory_space<vmem>>
      %dma_start3A_131 = arith.constant 0 : i32
      %dma_start3A_132 = tpu.memref_slice %arg3[%dma_start3A_131] : memref<50331648xf32, #tpu.memory_space<hbm>> -> memref<50331648xf32, #tpu.memory_space<hbm>>
      tpu.enqueue_indirect_dma source(%dma_start3A_132 : memref<50331648xf32, #tpu.memory_space<hbm>>) target(%dma_start3A_128 : memref<128xf32, #tpu.memory_space<vmem>>) offsets(%dma_start3A_130 : memref<128xi32, #tpu.memory_space<vmem>>) semaphore(%arg12 : memref<!tpu.dma_semaphore, #tpu.memory_space<semaphore_mem>>)
      %mul3A_133 = arith.constant 128 : i32
      %mul3A_134 = arith.muli %scan3A_104, %mul3A_133 : i32
      %mul3A_135 = arith.constant 4 : i32
      %mul3A_136 = arith.muli %scan3A_104, %mul3A_135 : i32
      %mul3A_137 = arith.constant 128 : i32
      %mul3A_138 = arith.muli %mul3A_136, %mul3A_137 : i32
      %add3A_139 = arith.constant 256 : i32
      %add3A_140 = arith.addi %mul3A_138, %add3A_139 : i32
      %dma_start3A_141 = arith.constant 2 : i32
      %dma_start3A_142 = tpu.memref_slice %arg10[%add3A_140] : memref<16384xf32, #tpu.memory_space<vmem>> -> memref<128xf32, #tpu.memory_space<vmem>>
      %dma_start3A_143 = tpu.memref_slice %arg8[%dma_start3A_141, %mul3A_134] : memref<3x4096xi32, #tpu.memory_space<vmem>> -> memref<1x128xi32, #tpu.memory_space<vmem>>
      %dma_start3A_144 = tpu.memref_squeeze %dma_start3A_143 : memref<1x128xi32, #tpu.memory_space<vmem>> -> memref<128xi32, #tpu.memory_space<vmem>>
      %dma_start3A_145 = arith.constant 0 : i32
      %dma_start3A_146 = tpu.memref_slice %arg3[%dma_start3A_145] : memref<50331648xf32, #tpu.memory_space<hbm>> -> memref<50331648xf32, #tpu.memory_space<hbm>>
      tpu.enqueue_indirect_dma source(%dma_start3A_146 : memref<50331648xf32, #tpu.memory_space<hbm>>) target(%dma_start3A_142 : memref<128xf32, #tpu.memory_space<vmem>>) offsets(%dma_start3A_144 : memref<128xi32, #tpu.memory_space<vmem>>) semaphore(%arg12 : memref<!tpu.dma_semaphore, #tpu.memory_space<semaphore_mem>>)
    }
    %scan3A_69 = arith.constant 32 : i32
    %scan3A_70 = arith.constant 0 : i32
    %scan3A_71 = arith.constant 1 : i32
    %scan3A_72 = arith.constant 7 : i32
    %scan3A_73 = arith.addi %scan3A_71, %scan3A_72 : i32
    %scan3A_74 = arith.constant 1 : i32
    scf.for %scan3A_104 = %scan3A_71 to %scan3A_73 step %scan3A_74  : i32 {
      %mul3A_105 = arith.constant 2 : i32
      %mul3A_106 = arith.muli %mul3A_105, %scan3A_104 : i32
      %add3A_107 = arith.constant 0 : i32
      %add3A_108 = arith.addi %mul3A_106, %add3A_107 : i32
      %add3A_109 = arith.constant 1 : i32
      %add3A_110 = arith.addi %add3A_108, %add3A_109 : i32
      %min3A = arith.constant 15 : i32
      %min3A_111 = arith.minsi %add3A_110, %min3A : i32
      %mul3A_112 = arith.constant 65536 : i32
      %mul3A_113 = arith.muli %add3A, %mul3A_112 : i32
      %mul3A_114 = arith.constant 4096 : i32
      %mul3A_115 = arith.muli %min3A_111, %mul3A_114 : i32
      %add3A_116 = arith.addi %mul3A_113, %mul3A_115 : i32
      %mul3A_117 = arith.constant 2 : i32
      %mul3A_118 = arith.muli %mul3A_117, %add3A_116 : i32
      %dma_start3A_119 = tpu.memref_slice %arg2[%mul3A_118] : memref<4194304xf32, #tpu.memory_space<hbm>> -> memref<8192xf32, #tpu.memory_space<hbm>>
      %dma_start3A_120 = tpu.memref_slice %arg2[%mul3A_118] : memref<4194304xf32, #tpu.memory_space<hbm>> -> memref<8192xf32, #tpu.memory_space<hbm>>
      tpu.enqueue_dma source(%dma_start3A_120 : memref<8192xf32, #tpu.memory_space<hbm>>) target(%arg6 : memref<8192xf32, #tpu.memory_space<vmem>>) target_semaphore(%arg11 : memref<!tpu.dma_semaphore, #tpu.memory_space<semaphore_mem>>)
      %dma_wait3A_121 = arith.constant 0 : i32
      %dma_wait3A_122 = tpu.memref_slice %arg2[%dma_wait3A_121] : memref<4194304xf32, #tpu.memory_space<hbm>> -> memref<8192xf32, #tpu.memory_space<hbm>>
      %dma_wait3A_123 = arith.constant 0 : i32
      %dma_wait3A_124 = tpu.memref_slice %arg2[%dma_wait3A_123] : memref<4194304xf32, #tpu.memory_space<hbm>> -> memref<8192xf32, #tpu.memory_space<hbm>>
      tpu.wait_dma2 semaphore(%arg11 : memref<!tpu.dma_semaphore, #tpu.memory_space<semaphore_mem>>) src(%dma_wait3A_124 : memref<8192xf32, #tpu.memory_space<hbm>>) dst(%arg5 : memref<8192xf32, #tpu.memory_space<vmem>>)
      %scan3A_125 = arith.constant 0 : i32
      %scan3A_126 = arith.constant 0 : i32
      %scan3A_127 = arith.constant 256 : i32
      %scan3A_128 = arith.addi %scan3A_126, %scan3A_127 : i32
      %scan3A_129 = arith.constant 1 : i32
      scf.for %scan3A_215 = %scan3A_126 to %scan3A_128 step %scan3A_129  : i32 {
        %shift_right_arithmetic3A = arith.constant 3 : i32
        %shift_right_arithmetic3A_216 = arith.shrsi %scan3A_215, %shift_right_arithmetic3A : i32
        %mul3A_217 = arith.constant 256 : i32
        %mul3A_218 = arith.muli %shift_right_arithmetic3A_216, %mul3A_217 : i32
        %and3A = arith.constant 7 : i32
        %and3A_219 = arith.andi %scan3A_215, %and3A : i32
        %mul3A_220 = arith.constant 16 : i32
        %mul3A_221 = arith.muli %and3A_219, %mul3A_220 : i32
        %add3A_222 = arith.addi %mul3A_218, %mul3A_221 : i32
        %get3A = arith.index_cast %add3A_222 : i32 to index
        %get3A_223 = tpu.vector_load %arg5[%get3A] {strides = array<i32>} : memref<8192xf32, #tpu.memory_space<vmem>>, vector<16xf32>,
        %get3A_224 = vector.shape_cast %get3A_223 : vector<16xf32> to vector<16xf32>
        %add3A_225 = arith.constant 128 : i32
        %add3A_226 = arith.addi %add3A_222, %add3A_225 : i32
        %get3A_227 = arith.index_cast %add3A_226 : i32 to index
        %get3A_228 = tpu.vector_load %arg5[%get3A_227] {strides = array<i32>} : memref<8192xf32, #tpu.memory_space<vmem>>, vector<16xf32>,
        %get3A_229 = vector.shape_cast %get3A_228 : vector<16xf32> to vector<16xf32>
        %add3A_230 = arith.constant 1.000000e+00 : f32
        %add3A_231 = vector.broadcast %add3A_230 : f32 to vector<16xf32>
        %add3A_232 = arith.addf %get3A_224, %add3A_231 : vector<16xf32>
        %mul3A_233 = arith.constant 5.000000e-01 : f32
        %mul3A_234 = vector.broadcast %mul3A_233 : f32 to vector<16xf32>
        %mul3A_235 = arith.mulf %add3A_232, %mul3A_234 : vector<16xf32>
        %mul3A_236 = arith.constant 4.095000e+03 : f32
        %mul3A_237 = vector.broadcast %mul3A_236 : f32 to vector<16xf32>
        %mul3A_238 = arith.mulf %mul3A_235, %mul3A_237 : vector<16xf32>
        %convert_element_type3A = arith.fptosi %mul3A_238 : vector<16xf32> to vector<16xi32>
        %convert_element_type3A_239 = arith.sitofp %convert_element_type3A : vector<16xi32> to vector<16xf32>
        %sub3A_240 = arith.subf %mul3A_238, %convert_element_type3A_239 : vector<16xf32>
        %ge3A = arith.constant 5.000000e-01 : f32
        %ge3A_241 = vector.broadcast %ge3A : f32 to vector<16xf32>
        %ge3A_242 = arith.cmpf oge, %sub3A_240, %ge3A_241 : vector<16xf32>
        %add3A_243 = arith.constant 1 : i32
        %add3A_244 = vector.broadcast %add3A_243 : i32 to vector<16xi32>
        %add3A_245 = arith.addi %convert_element_type3A, %add3A_244 : vector<16xi32>
        %select_n3A = arith.select %ge3A_242, %add3A_245, %convert_element_type3A : vector<16xi1>, vector<16xi32>
        %min3A_246 = arith.constant 4095 : i32
        %min3A_247 = vector.broadcast %min3A_246 : i32 to vector<16xi32>
        %min3A_248 = arith.minsi %select_n3A, %min3A_247 : vector<16xi32>
        %add3A_249 = arith.constant 1.000000e+00 : f32
        %add3A_250 = vector.broadcast %add3A_249 : f32 to vector<16xf32>
        %add3A_251 = arith.addf %get3A_229, %add3A_250 : vector<16xf32>
        %mul3A_252 = arith.constant 5.000000e-01 : f32
        %mul3A_253 = vector.broadcast %mul3A_252 : f32 to vector<16xf32>
        %mul3A_254 = arith.mulf %add3A_251, %mul3A_253 : vector<16xf32>
        %mul3A_255 = arith.constant 4.095000e+03 : f32
        %mul3A_256 = vector.broadcast %mul3A_255 : f32 to vector<16xf32>
        %mul3A_257 = arith.mulf %mul3A_254, %mul3A_256 : vector<16xf32>
        %convert_element_type3A_258 = arith.fptosi %mul3A_257 : vector<16xf32> to vector<16xi32>
        %convert_element_type3A_259 = arith.sitofp %convert_element_type3A_258 : vector<16xi32> to vector<16xf32>
        %sub3A_260 = arith.subf %mul3A_257, %convert_element_type3A_259 : vector<16xf32>
        %ge3A_261 = arith.constant 5.000000e-01 : f32
        %ge3A_262 = vector.broadcast %ge3A_261 : f32 to vector<16xf32>
        %ge3A_263 = arith.cmpf oge, %sub3A_260, %ge3A_262 : vector<16xf32>
        %add3A_264 = arith.constant 1 : i32
        %add3A_265 = vector.broadcast %add3A_264 : i32 to vector<16xi32>
        %add3A_266 = arith.addi %convert_element_type3A_258, %add3A_265 : vector<16xi32>
        %select_n3A_267 = arith.select %ge3A_263, %add3A_266, %convert_element_type3A_258 : vector<16xi1>, vector<16xi32>
        %min3A_268 = arith.constant 4095 : i32
        %min3A_269 = vector.broadcast %min3A_268 : i32 to vector<16xi32>
        %min3A_270 = arith.minsi %select_n3A_267, %min3A_269 : vector<16xi32>
        %shift_right_arithmetic3A_271 = arith.constant 3 : i32
        %shift_right_arithmetic3A_272 = vector.broadcast %shift_right_arithmetic3A_271 : i32 to vector<16xi32>
        %shift_right_arithmetic3A_273 = arith.shrsi %min3A_248, %shift_right_arithmetic3A_272 : vector<16xi32>
        %shift_left3A = arith.constant 15 : i32
        %shift_left3A_274 = vector.broadcast %shift_left3A : i32 to vector<16xi32>
        %shift_left3A_275 = arith.shli %shift_right_arithmetic3A_273, %shift_left3A_274 : vector<16xi32>
        %shift_right_arithmetic3A_276 = arith.constant 7 : i32
        %shift_right_arithmetic3A_277 = vector.broadcast %shift_right_arithmetic3A_276 : i32 to vector<16xi32>
        %shift_right_arithmetic3A_278 = arith.shrsi %min3A_270, %shift_right_arithmetic3A_277 : vector<16xi32>
        %shift_left3A_279 = arith.constant 10 : i32
        %shift_left3A_280 = vector.broadcast %shift_left3A_279 : i32 to vector<16xi32>
        %shift_left3A_281 = arith.shli %shift_right_arithmetic3A_278, %shift_left3A_280 : vector<16xi32>
        %or3A = arith.ori %shift_left3A_275, %shift_left3A_281 : vector<16xi32>
        %and3A_282 = arith.constant 7 : i32
        %and3A_283 = vector.broadcast %and3A_282 : i32 to vector<16xi32>
        %and3A_284 = arith.andi %min3A_248, %and3A_283 : vector<16xi32>
        %shift_left3A_285 = arith.constant 7 : i32
        %shift_left3A_286 = vector.broadcast %shift_left3A_285 : i32 to vector<16xi32>
        %shift_left3A_287 = arith.shli %and3A_284, %shift_left3A_286 : vector<16xi32>
        %or3A_288 = arith.ori %or3A, %shift_left3A_287 : vector<16xi32>
        %and3A_289 = arith.constant 127 : i32
        %and3A_290 = vector.broadcast %and3A_289 : i32 to vector<16xi32>
        %and3A_291 = arith.andi %min3A_270, %and3A_290 : vector<16xi32>
        %or3A_292 = arith.ori %or3A_288, %and3A_291 : vector<16xi32>
        %mul3A_293 = arith.constant 16 : i32
        %mul3A_294 = arith.muli %scan3A_215, %mul3A_293 : i32
        %swap3A = arith.constant 0 : i32
        %swap3A_295 = arith.index_cast %swap3A : i32 to index
        %swap3A_296 = arith.index_cast %mul3A_294 : i32 to index
        %swap3A_297 = tpu.vector_load %arg7[%swap3A_295, %swap3A_296] {strides = array<i32>} : memref<3x4096xi32, #tpu.memory_space<vmem>>, vector<1x16xi32>,
        %swap3A_298 = vector.shape_cast %swap3A_297 : vector<1x16xi32> to vector<16xi32>
        %swap3A_299 = vector.shape_cast %or3A_292 : vector<16xi32> to vector<1x16xi32>
        tpu.vector_store %arg7[%swap3A_295, %swap3A_296], %swap3A_299 {strides = array<i32>} : memref<3x4096xi32, #tpu.memory_space<vmem>>, vector<1x16xi32>,
        %add3A_300 = arith.constant 16777216 : i32
        %add3A_301 = vector.broadcast %add3A_300 : i32 to vector<16xi32>
        %add3A_302 = arith.addi %or3A_292, %add3A_301 : vector<16xi32>
        %swap3A_303 = arith.constant 1 : i32
        %swap3A_304 = arith.index_cast %swap3A_303 : i32 to index
        %swap3A_305 = arith.index_cast %mul3A_294 : i32 to index
        %swap3A_306 = tpu.vector_load %arg7[%swap3A_304, %swap3A_305] {strides = array<i32>} : memref<3x4096xi32, #tpu.memory_space<vmem>>, vector<1x16xi32>,
        %swap3A_307 = vector.shape_cast %swap3A_306 : vector<1x16xi32> to vector<16xi32>
        %swap3A_308 = vector.shape_cast %add3A_302 : vector<16xi32> to vector<1x16xi32>
        tpu.vector_store %arg7[%swap3A_304, %swap3A_305], %swap3A_308 {strides = array<i32>} : memref<3x4096xi32, #tpu.memory_space<vmem>>, vector<1x16xi32>,
        %add3A_309 = arith.constant 33554432 : i32
        %add3A_310 = vector.broadcast %add3A_309 : i32 to vector<16xi32>
        %add3A_311 = arith.addi %or3A_292, %add3A_310 : vector<16xi32>
        %swap3A_312 = arith.constant 2 : i32
        %swap3A_313 = arith.index_cast %swap3A_312 : i32 to index
        %swap3A_314 = arith.index_cast %mul3A_294 : i32 to index
        %swap3A_315 = tpu.vector_load %arg7[%swap3A_313, %swap3A_314] {strides = array<i32>} : memref<3x4096xi32, #tpu.memory_space<vmem>>, vector<1x16xi32>,
        %swap3A_316 = vector.shape_cast %swap3A_315 : vector<1x16xi32> to vector<16xi32>
        %swap3A_317 = vector.shape_cast %add3A_311 : vector<16xi32> to vector<1x16xi32>
        tpu.vector_store %arg7[%swap3A_313, %swap3A_314], %swap3A_317 {strides = array<i32>} : memref<3x4096xi32, #tpu.memory_space<vmem>>, vector<1x16xi32>,
      }
      %scan3A_130 = arith.constant 256 : i32
      %dma_wait3A_131 = arith.constant 0 : i32
      %dma_wait3A_132 = tpu.memref_slice %arg10[%dma_wait3A_131] : memref<16384xf32, #tpu.memory_space<vmem>> -> memref<12288xf32, #tpu.memory_space<vmem>>
      %dma_wait3A_133 = arith.constant 0 : i32
      %dma_wait3A_134 = tpu.memref_slice %arg3[%dma_wait3A_133] : memref<50331648xf32, #tpu.memory_space<hbm>> -> memref<12288xf32, #tpu.memory_space<hbm>>
      %dma_wait3A_135 = arith.constant 0 : i32
      %dma_wait3A_136 = tpu.memref_slice %arg10[%dma_wait3A_135] : memref<16384xf32, #tpu.memory_space<vmem>> -> memref<12288xf32, #tpu.memory_space<vmem>>
      %dma_wait3A_137 = arith.constant 0 : i32
      %dma_wait3A_138 = tpu.memref_slice %arg3[%dma_wait3A_137] : memref<50331648xf32, #tpu.memory_space<hbm>> -> memref<12288xf32, #tpu.memory_space<hbm>>
      tpu.wait_dma2 semaphore(%arg12 : memref<!tpu.dma_semaphore, #tpu.memory_space<semaphore_mem>>) src(%dma_wait3A_138 : memref<12288xf32, #tpu.memory_space<hbm>>) dst(%dma_wait3A_136 : memref<12288xf32, #tpu.memory_space<vmem>>)
      %sub3A = arith.constant 1 : i32
      %sub3A_139 = arith.subi %add3A_108, %sub3A : i32
      %mul3A_140 = arith.constant 65536 : i32
      %mul3A_141 = arith.muli %add3A, %mul3A_140 : i32
      %mul3A_142 = arith.constant 4096 : i32
      %mul3A_143 = arith.muli %sub3A_139, %mul3A_142 : i32
      %add3A_144 = arith.addi %mul3A_141, %mul3A_143 : i32
      %mul3A_145 = arith.constant 4 : i32
      %mul3A_146 = arith.muli %mul3A_145, %add3A_144 : i32
      %dma_start3A_147 = tpu.memref_slice %arg4[%mul3A_146] : memref<8388608xf32, #tpu.memory_space<hbm>> -> memref<16384xf32, #tpu.memory_space<hbm>>
      %dma_start3A_148 = tpu.memref_slice %arg4[%mul3A_146] : memref<8388608xf32, #tpu.memory_space<hbm>> -> memref<16384xf32, #tpu.memory_space<hbm>>
      tpu.enqueue_dma source(%arg10 : memref<16384xf32, #tpu.memory_space<vmem>>) target(%dma_start3A_148 : memref<16384xf32, #tpu.memory_space<hbm>>) target_semaphore(%arg14 : memref<!tpu.dma_semaphore, #tpu.memory_space<semaphore_mem>>)
      %dma_wait3A_149 = arith.constant 0 : i32
      %dma_wait3A_150 = tpu.memref_slice %arg4[%dma_wait3A_149] : memref<8388608xf32, #tpu.memory_space<hbm>> -> memref<16384xf32, #tpu.memory_space<hbm>>
      %dma_wait3A_151 = arith.constant 0 : i32
      %dma_wait3A_152 = tpu.memref_slice %arg4[%dma_wait3A_151] : memref<8388608xf32, #tpu.memory_space<hbm>> -> memref<16384xf32, #tpu.memory_space<hbm>>
      tpu.wait_dma2 semaphore(%arg13 : memref<!tpu.dma_semaphore, #tpu.memory_space<semaphore_mem>>) src(%arg9 : memref<16384xf32, #tpu.memory_space<vmem>>) dst(%dma_wait3A_152 : memref<16384xf32, #tpu.memory_space<hbm>>)
      %scan3A_153 = arith.constant 0 : i32
      %scan3A_154 = arith.constant 0 : i32
      %scan3A_155 = arith.constant 32 : i32
      %scan3A_156 = arith.addi %scan3A_154, %scan3A_155 : i32
      %scan3A_157 = arith.constant 1 : i32
      scf.for %scan3A_215 = %scan3A_154 to %scan3A_156 step %scan3A_157  : i32 {
        %mul3A_216 = arith.constant 128 : i32
        %mul3A_217 = arith.muli %scan3A_215, %mul3A_216 : i32
        %mul3A_218 = arith.constant 4 : i32
        %mul3A_219 = arith.muli %scan3A_215, %mul3A_218 : i32
        %mul3A_220 = arith.constant 128 : i32
        %mul3A_221 = arith.muli %mul3A_219, %mul3A_220 : i32
        %add3A_222 = arith.constant 0 : i32
        %add3A_223 = arith.addi %mul3A_221, %add3A_222 : i32
        %dma_start3A_224 = arith.constant 0 : i32
        %dma_start3A_225 = tpu.memref_slice %arg9[%add3A_223] : memref<16384xf32, #tpu.memory_space<vmem>> -> memref<128xf32, #tpu.memory_space<vmem>>
        %dma_start3A_226 = tpu.memref_slice %arg7[%dma_start3A_224, %mul3A_217] : memref<3x4096xi32, #tpu.memory_space<vmem>> -> memref<1x128xi32, #tpu.memory_space<vmem>>
        %dma_start3A_227 = tpu.memref_squeeze %dma_start3A_226 : memref<1x128xi32, #tpu.memory_space<vmem>> -> memref<128xi32, #tpu.memory_space<vmem>>
        %dma_start3A_228 = arith.constant 0 : i32
        %dma_start3A_229 = tpu.memref_slice %arg3[%dma_start3A_228] : memref<50331648xf32, #tpu.memory_space<hbm>> -> memref<50331648xf32, #tpu.memory_space<hbm>>
        tpu.enqueue_indirect_dma source(%dma_start3A_229 : memref<50331648xf32, #tpu.memory_space<hbm>>) target(%dma_start3A_225 : memref<128xf32, #tpu.memory_space<vmem>>) offsets(%dma_start3A_227 : memref<128xi32, #tpu.memory_space<vmem>>) semaphore(%arg12 : memref<!tpu.dma_semaphore, #tpu.memory_space<semaphore_mem>>)
        %mul3A_230 = arith.constant 128 : i32
        %mul3A_231 = arith.muli %scan3A_215, %mul3A_230 : i32
        %mul3A_232 = arith.constant 4 : i32
        %mul3A_233 = arith.muli %scan3A_215, %mul3A_232 : i32
        %mul3A_234 = arith.constant 128 : i32
        %mul3A_235 = arith.muli %mul3A_233, %mul3A_234 : i32
        %add3A_236 = arith.constant 128 : i32
        %add3A_237 = arith.addi %mul3A_235, %add3A_236 : i32
        %dma_start3A_238 = arith.constant 1 : i32
        %dma_start3A_239 = tpu.memref_slice %arg9[%add3A_237] : memref<16384xf32, #tpu.memory_space<vmem>> -> memref<128xf32, #tpu.memory_space<vmem>>
        %dma_start3A_240 = tpu.memref_slice %arg7[%dma_start3A_238, %mul3A_231] : memref<3x4096xi32, #tpu.memory_space<vmem>> -> memref<1x128xi32, #tpu.memory_space<vmem>>
        %dma_start3A_241 = tpu.memref_squeeze %dma_start3A_240 : memref<1x128xi32, #tpu.memory_space<vmem>> -> memref<128xi32, #tpu.memory_space<vmem>>
        %dma_start3A_242 = arith.constant 0 : i32
        %dma_start3A_243 = tpu.memref_slice %arg3[%dma_start3A_242] : memref<50331648xf32, #tpu.memory_space<hbm>> -> memref<50331648xf32, #tpu.memory_space<hbm>>
        tpu.enqueue_indirect_dma source(%dma_start3A_243 : memref<50331648xf32, #tpu.memory_space<hbm>>) target(%dma_start3A_239 : memref<128xf32, #tpu.memory_space<vmem>>) offsets(%dma_start3A_241 : memref<128xi32, #tpu.memory_space<vmem>>) semaphore(%arg12 : memref<!tpu.dma_semaphore, #tpu.memory_space<semaphore_mem>>)
        %mul3A_244 = arith.constant 128 : i32
        %mul3A_245 = arith.muli %scan3A_215, %mul3A_244 : i32
        %mul3A_246 = arith.constant 4 : i32
        %mul3A_247 = arith.muli %scan3A_215, %mul3A_246 : i32
        %mul3A_248 = arith.constant 128 : i32
        %mul3A_249 = arith.muli %mul3A_247, %mul3A_248 : i32
        %add3A_250 = arith.constant 256 : i32
        %add3A_251 = arith.addi %mul3A_249, %add3A_250 : i32
        %dma_start3A_252 = arith.constant 2 : i32
        %dma_start3A_253 = tpu.memref_slice %arg9[%add3A_251] : memref<16384xf32, #tpu.memory_space<vmem>> -> memref<128xf32, #tpu.memory_space<vmem>>
        %dma_start3A_254 = tpu.memref_slice %arg7[%dma_start3A_252, %mul3A_245] : memref<3x4096xi32, #tpu.memory_space<vmem>> -> memref<1x128xi32, #tpu.memory_space<vmem>>
        %dma_start3A_255 = tpu.memref_squeeze %dma_start3A_254 : memref<1x128xi32, #tpu.memory_space<vmem>> -> memref<128xi32, #tpu.memory_space<vmem>>
        %dma_start3A_256 = arith.constant 0 : i32
        %dma_start3A_257 = tpu.memref_slice %arg3[%dma_start3A_256] : memref<50331648xf32, #tpu.memory_space<hbm>> -> memref<50331648xf32, #tpu.memory_space<hbm>>
        tpu.enqueue_indirect_dma source(%dma_start3A_257 : memref<50331648xf32, #tpu.memory_space<hbm>>) target(%dma_start3A_253 : memref<128xf32, #tpu.memory_space<vmem>>) offsets(%dma_start3A_255 : memref<128xi32, #tpu.memory_space<vmem>>) semaphore(%arg12 : memref<!tpu.dma_semaphore, #tpu.memory_space<semaphore_mem>>)
      }
      %scan3A_158 = arith.constant 32 : i32
      %mul3A_159 = arith.constant 2 : i32
      %mul3A_160 = arith.muli %mul3A_159, %scan3A_104 : i32
      %add3A_161 = arith.constant 1 : i32
      %add3A_162 = arith.addi %mul3A_160, %add3A_161 : i32
      %add3A_163 = arith.constant 1 : i32
      %add3A_164 = arith.addi %add3A_162, %add3A_163 : i32
      %min3A_165 = arith.constant 15 : i32
      %min3A_166 = arith.minsi %add3A_164, %min3A_165 : i32
      %mul3A_167 = arith.constant 65536 : i32
      %mul3A_168 = arith.muli %add3A, %mul3A_167 : i32
      %mul3A_169 = arith.constant 4096 : i32
      %mul3A_170 = arith.muli %min3A_166, %mul3A_169 : i32
      %add3A_171 = arith.addi %mul3A_168, %mul3A_170 : i32
      %mul3A_172 = arith.constant 2 : i32
      %mul3A_173 = arith.muli %mul3A_172, %add3A_171 : i32
      %dma_start3A_174 = tpu.memref_slice %arg2[%mul3A_173] : memref<4194304xf32, #tpu.memory_space<hbm>> -> memref<8192xf32, #tpu.memory_space<hbm>>
      %dma_start3A_175 = tpu.memref_slice %arg2[%mul3A_173] : memref<4194304xf32, #tpu.memory_space<hbm>> -> memref<8192xf32, #tpu.memory_space<hbm>>
      tpu.enqueue_dma source(%dma_start3A_175 : memref<8192xf32, #tpu.memory_space<hbm>>) target(%arg5 : memref<8192xf32, #tpu.memory_space<vmem>>) target_semaphore(%arg11 : memref<!tpu.dma_semaphore, #tpu.memory_space<semaphore_mem>>)
      %dma_wait3A_176 = arith.constant 0 : i32
      %dma_wait3A_177 = tpu.memref_slice %arg2[%dma_wait3A_176] : memref<4194304xf32, #tpu.memory_space<hbm>> -> memref<8192xf32, #tpu.memory_space<hbm>>
      %dma_wait3A_178 = arith.constant 0 : i32
      %dma_wait3A_179 = tpu.memref_slice %arg2[%dma_wait3A_178] : memref<4194304xf32, #tpu.memory_space<hbm>> -> memref<8192xf32, #tpu.memory_space<hbm>>
      tpu.wait_dma2 semaphore(%arg11 : memref<!tpu.dma_semaphore, #tpu.memory_space<semaphore_mem>>) src(%dma_wait3A_179 : memref<8192xf32, #tpu.memory_space<hbm>>) dst(%arg6 : memref<8192xf32, #tpu.memory_space<vmem>>)
      %scan3A_180 = arith.constant 0 : i32
      %scan3A_181 = arith.constant 0 : i32
      %scan3A_182 = arith.constant 256 : i32
      %scan3A_183 = arith.addi %scan3A_181, %scan3A_182 : i32
      %scan3A_184 = arith.constant 1 : i32
      scf.for %scan3A_215 = %scan3A_181 to %scan3A_183 step %scan3A_184  : i32 {
        %shift_right_arithmetic3A = arith.constant 3 : i32
        %shift_right_arithmetic3A_216 = arith.shrsi %scan3A_215, %shift_right_arithmetic3A : i32
        %mul3A_217 = arith.constant 256 : i32
        %mul3A_218 = arith.muli %shift_right_arithmetic3A_216, %mul3A_217 : i32
        %and3A = arith.constant 7 : i32
        %and3A_219 = arith.andi %scan3A_215, %and3A : i32
        %mul3A_220 = arith.constant 16 : i32
        %mul3A_221 = arith.muli %and3A_219, %mul3A_220 : i32
        %add3A_222 = arith.addi %mul3A_218, %mul3A_221 : i32
        %get3A = arith.index_cast %add3A_222 : i32 to index
        %get3A_223 = tpu.vector_load %arg6[%get3A] {strides = array<i32>} : memref<8192xf32, #tpu.memory_space<vmem>>, vector<16xf32>,
        %get3A_224 = vector.shape_cast %get3A_223 : vector<16xf32> to vector<16xf32>
        %add3A_225 = arith.constant 128 : i32
        %add3A_226 = arith.addi %add3A_222, %add3A_225 : i32
        %get3A_227 = arith.index_cast %add3A_226 : i32 to index
        %get3A_228 = tpu.vector_load %arg6[%get3A_227] {strides = array<i32>} : memref<8192xf32, #tpu.memory_space<vmem>>, vector<16xf32>,
        %get3A_229 = vector.shape_cast %get3A_228 : vector<16xf32> to vector<16xf32>
        %add3A_230 = arith.constant 1.000000e+00 : f32
        %add3A_231 = vector.broadcast %add3A_230 : f32 to vector<16xf32>
        %add3A_232 = arith.addf %get3A_224, %add3A_231 : vector<16xf32>
        %mul3A_233 = arith.constant 5.000000e-01 : f32
        %mul3A_234 = vector.broadcast %mul3A_233 : f32 to vector<16xf32>
        %mul3A_235 = arith.mulf %add3A_232, %mul3A_234 : vector<16xf32>
        %mul3A_236 = arith.constant 4.095000e+03 : f32
        %mul3A_237 = vector.broadcast %mul3A_236 : f32 to vector<16xf32>
        %mul3A_238 = arith.mulf %mul3A_235, %mul3A_237 : vector<16xf32>
        %convert_element_type3A = arith.fptosi %mul3A_238 : vector<16xf32> to vector<16xi32>
        %convert_element_type3A_239 = arith.sitofp %convert_element_type3A : vector<16xi32> to vector<16xf32>
        %sub3A_240 = arith.subf %mul3A_238, %convert_element_type3A_239 : vector<16xf32>
        %ge3A = arith.constant 5.000000e-01 : f32
        %ge3A_241 = vector.broadcast %ge3A : f32 to vector<16xf32>
        %ge3A_242 = arith.cmpf oge, %sub3A_240, %ge3A_241 : vector<16xf32>
        %add3A_243 = arith.constant 1 : i32
        %add3A_244 = vector.broadcast %add3A_243 : i32 to vector<16xi32>
        %add3A_245 = arith.addi %convert_element_type3A, %add3A_244 : vector<16xi32>
        %select_n3A = arith.select %ge3A_242, %add3A_245, %convert_element_type3A : vector<16xi1>, vector<16xi32>
        %min3A_246 = arith.constant 4095 : i32
        %min3A_247 = vector.broadcast %min3A_246 : i32 to vector<16xi32>
        %min3A_248 = arith.minsi %select_n3A, %min3A_247 : vector<16xi32>
        %add3A_249 = arith.constant 1.000000e+00 : f32
        %add3A_250 = vector.broadcast %add3A_249 : f32 to vector<16xf32>
        %add3A_251 = arith.addf %get3A_229, %add3A_250 : vector<16xf32>
        %mul3A_252 = arith.constant 5.000000e-01 : f32
        %mul3A_253 = vector.broadcast %mul3A_252 : f32 to vector<16xf32>
        %mul3A_254 = arith.mulf %add3A_251, %mul3A_253 : vector<16xf32>
        %mul3A_255 = arith.constant 4.095000e+03 : f32
        %mul3A_256 = vector.broadcast %mul3A_255 : f32 to vector<16xf32>
        %mul3A_257 = arith.mulf %mul3A_254, %mul3A_256 : vector<16xf32>
        %convert_element_type3A_258 = arith.fptosi %mul3A_257 : vector<16xf32> to vector<16xi32>
        %convert_element_type3A_259 = arith.sitofp %convert_element_type3A_258 : vector<16xi32> to vector<16xf32>
        %sub3A_260 = arith.subf %mul3A_257, %convert_element_type3A_259 : vector<16xf32>
        %ge3A_261 = arith.constant 5.000000e-01 : f32
        %ge3A_262 = vector.broadcast %ge3A_261 : f32 to vector<16xf32>
        %ge3A_263 = arith.cmpf oge, %sub3A_260, %ge3A_262 : vector<16xf32>
        %add3A_264 = arith.constant 1 : i32
        %add3A_265 = vector.broadcast %add3A_264 : i32 to vector<16xi32>
        %add3A_266 = arith.addi %convert_element_type3A_258, %add3A_265 : vector<16xi32>
        %select_n3A_267 = arith.select %ge3A_263, %add3A_266, %convert_element_type3A_258 : vector<16xi1>, vector<16xi32>
        %min3A_268 = arith.constant 4095 : i32
        %min3A_269 = vector.broadcast %min3A_268 : i32 to vector<16xi32>
        %min3A_270 = arith.minsi %select_n3A_267, %min3A_269 : vector<16xi32>
        %shift_right_arithmetic3A_271 = arith.constant 3 : i32
        %shift_right_arithmetic3A_272 = vector.broadcast %shift_right_arithmetic3A_271 : i32 to vector<16xi32>
        %shift_right_arithmetic3A_273 = arith.shrsi %min3A_248, %shift_right_arithmetic3A_272 : vector<16xi32>
        %shift_left3A = arith.constant 15 : i32
        %shift_left3A_274 = vector.broadcast %shift_left3A : i32 to vector<16xi32>
        %shift_left3A_275 = arith.shli %shift_right_arithmetic3A_273, %shift_left3A_274 : vector<16xi32>
        %shift_right_arithmetic3A_276 = arith.constant 7 : i32
        %shift_right_arithmetic3A_277 = vector.broadcast %shift_right_arithmetic3A_276 : i32 to vector<16xi32>
        %shift_right_arithmetic3A_278 = arith.shrsi %min3A_270, %shift_right_arithmetic3A_277 : vector<16xi32>
        %shift_left3A_279 = arith.constant 10 : i32
        %shift_left3A_280 = vector.broadcast %shift_left3A_279 : i32 to vector<16xi32>
        %shift_left3A_281 = arith.shli %shift_right_arithmetic3A_278, %shift_left3A_280 : vector<16xi32>
        %or3A = arith.ori %shift_left3A_275, %shift_left3A_281 : vector<16xi32>
        %and3A_282 = arith.constant 7 : i32
        %and3A_283 = vector.broadcast %and3A_282 : i32 to vector<16xi32>
        %and3A_284 = arith.andi %min3A_248, %and3A_283 : vector<16xi32>
        %shift_left3A_285 = arith.constant 7 : i32
        %shift_left3A_286 = vector.broadcast %shift_left3A_285 : i32 to vector<16xi32>
        %shift_left3A_287 = arith.shli %and3A_284, %shift_left3A_286 : vector<16xi32>
        %or3A_288 = arith.ori %or3A, %shift_left3A_287 : vector<16xi32>
        %and3A_289 = arith.constant 127 : i32
        %and3A_290 = vector.broadcast %and3A_289 : i32 to vector<16xi32>
        %and3A_291 = arith.andi %min3A_270, %and3A_290 : vector<16xi32>
        %or3A_292 = arith.ori %or3A_288, %and3A_291 : vector<16xi32>
        %mul3A_293 = arith.constant 16 : i32
        %mul3A_294 = arith.muli %scan3A_215, %mul3A_293 : i32
        %swap3A = arith.constant 0 : i32
        %swap3A_295 = arith.index_cast %swap3A : i32 to index
        %swap3A_296 = arith.index_cast %mul3A_294 : i32 to index
        %swap3A_297 = tpu.vector_load %arg8[%swap3A_295, %swap3A_296] {strides = array<i32>} : memref<3x4096xi32, #tpu.memory_space<vmem>>, vector<1x16xi32>,
        %swap3A_298 = vector.shape_cast %swap3A_297 : vector<1x16xi32> to vector<16xi32>
        %swap3A_299 = vector.shape_cast %or3A_292 : vector<16xi32> to vector<1x16xi32>
        tpu.vector_store %arg8[%swap3A_295, %swap3A_296], %swap3A_299 {strides = array<i32>} : memref<3x4096xi32, #tpu.memory_space<vmem>>, vector<1x16xi32>,
        %add3A_300 = arith.constant 16777216 : i32
        %add3A_301 = vector.broadcast %add3A_300 : i32 to vector<16xi32>
        %add3A_302 = arith.addi %or3A_292, %add3A_301 : vector<16xi32>
        %swap3A_303 = arith.constant 1 : i32
        %swap3A_304 = arith.index_cast %swap3A_303 : i32 to index
        %swap3A_305 = arith.index_cast %mul3A_294 : i32 to index
        %swap3A_306 = tpu.vector_load %arg8[%swap3A_304, %swap3A_305] {strides = array<i32>} : memref<3x4096xi32, #tpu.memory_space<vmem>>, vector<1x16xi32>,
        %swap3A_307 = vector.shape_cast %swap3A_306 : vector<1x16xi32> to vector<16xi32>
        %swap3A_308 = vector.shape_cast %add3A_302 : vector<16xi32> to vector<1x16xi32>
        tpu.vector_store %arg8[%swap3A_304, %swap3A_305], %swap3A_308 {strides = array<i32>} : memref<3x4096xi32, #tpu.memory_space<vmem>>, vector<1x16xi32>,
        %add3A_309 = arith.constant 33554432 : i32
        %add3A_310 = vector.broadcast %add3A_309 : i32 to vector<16xi32>
        %add3A_311 = arith.addi %or3A_292, %add3A_310 : vector<16xi32>
        %swap3A_312 = arith.constant 2 : i32
        %swap3A_313 = arith.index_cast %swap3A_312 : i32 to index
        %swap3A_314 = arith.index_cast %mul3A_294 : i32 to index
        %swap3A_315 = tpu.vector_load %arg8[%swap3A_313, %swap3A_314] {strides = array<i32>} : memref<3x4096xi32, #tpu.memory_space<vmem>>, vector<1x16xi32>,
        %swap3A_316 = vector.shape_cast %swap3A_315 : vector<1x16xi32> to vector<16xi32>
        %swap3A_317 = vector.shape_cast %add3A_311 : vector<16xi32> to vector<1x16xi32>
        tpu.vector_store %arg8[%swap3A_313, %swap3A_314], %swap3A_317 {strides = array<i32>} : memref<3x4096xi32, #tpu.memory_space<vmem>>, vector<1x16xi32>,
      }
      %scan3A_185 = arith.constant 256 : i32
      %dma_wait3A_186 = arith.constant 0 : i32
      %dma_wait3A_187 = tpu.memref_slice %arg9[%dma_wait3A_186] : memref<16384xf32, #tpu.memory_space<vmem>> -> memref<12288xf32, #tpu.memory_space<vmem>>
      %dma_wait3A_188 = arith.constant 0 : i32
      %dma_wait3A_189 = tpu.memref_slice %arg3[%dma_wait3A_188] : memref<50331648xf32, #tpu.memory_space<hbm>> -> memref<12288xf32, #tpu.memory_space<hbm>>
      %dma_wait3A_190 = arith.constant 0 : i32
      %dma_wait3A_191 = tpu.memref_slice %arg9[%dma_wait3A_190] : memref<16384xf32, #tpu.memory_space<vmem>> -> memref<12288xf32, #tpu.memory_space<vmem>>
      %dma_wait3A_192 = arith.constant 0 : i32
      %dma_wait3A_193 = tpu.memref_slice %arg3[%dma_wait3A_192] : memref<50331648xf32, #tpu.memory_space<hbm>> -> memref<12288xf32, #tpu.memory_space<hbm>>
      tpu.wait_dma2 semaphore(%arg12 : memref<!tpu.dma_semaphore, #tpu.memory_space<semaphore_mem>>) src(%dma_wait3A_193 : memref<12288xf32, #tpu.memory_space<hbm>>) dst(%dma_wait3A_191 : memref<12288xf32, #tpu.memory_space<vmem>>)
      %sub3A_194 = arith.constant 1 : i32
      %sub3A_195 = arith.subi %add3A_162, %sub3A_194 : i32
      %mul3A_196 = arith.constant 65536 : i32
      %mul3A_197 = arith.muli %add3A, %mul3A_196 : i32
      %mul3A_198 = arith.constant 4096 : i32
      %mul3A_199 = arith.muli %sub3A_195, %mul3A_198 : i32
      %add3A_200 = arith.addi %mul3A_197, %mul3A_199 : i32
      %mul3A_201 = arith.constant 4 : i32
      %mul3A_202 = arith.muli %mul3A_201, %add3A_200 : i32
      %dma_start3A_203 = tpu.memref_slice %arg4[%mul3A_202] : memref<8388608xf32, #tpu.memory_space<hbm>> -> memref<16384xf32, #tpu.memory_space<hbm>>
      %dma_start3A_204 = tpu.memref_slice %arg4[%mul3A_202] : memref<8388608xf32, #tpu.memory_space<hbm>> -> memref<16384xf32, #tpu.memory_space<hbm>>
      tpu.enqueue_dma source(%arg9 : memref<16384xf32, #tpu.memory_space<vmem>>) target(%dma_start3A_204 : memref<16384xf32, #tpu.memory_space<hbm>>) target_semaphore(%arg13 : memref<!tpu.dma_semaphore, #tpu.memory_space<semaphore_mem>>)
      %dma_wait3A_205 = arith.constant 0 : i32
      %dma_wait3A_206 = tpu.memref_slice %arg4[%dma_wait3A_205] : memref<8388608xf32, #tpu.memory_space<hbm>> -> memref<16384xf32, #tpu.memory_space<hbm>>
      %dma_wait3A_207 = arith.constant 0 : i32
      %dma_wait3A_208 = tpu.memref_slice %arg4[%dma_wait3A_207] : memref<8388608xf32, #tpu.memory_space<hbm>> -> memref<16384xf32, #tpu.memory_space<hbm>>
      tpu.wait_dma2 semaphore(%arg14 : memref<!tpu.dma_semaphore, #tpu.memory_space<semaphore_mem>>) src(%arg10 : memref<16384xf32, #tpu.memory_space<vmem>>) dst(%dma_wait3A_208 : memref<16384xf32, #tpu.memory_space<hbm>>)
      %scan3A_209 = arith.constant 0 : i32
      %scan3A_210 = arith.constant 0 : i32
      %scan3A_211 = arith.constant 32 : i32
      %scan3A_212 = arith.addi %scan3A_210, %scan3A_211 : i32
      %scan3A_213 = arith.constant 1 : i32
      scf.for %scan3A_215 = %scan3A_210 to %scan3A_212 step %scan3A_213  : i32 {
        %mul3A_216 = arith.constant 128 : i32
        %mul3A_217 = arith.muli %scan3A_215, %mul3A_216 : i32
        %mul3A_218 = arith.constant 4 : i32
        %mul3A_219 = arith.muli %scan3A_215, %mul3A_218 : i32
        %mul3A_220 = arith.constant 128 : i32
        %mul3A_221 = arith.muli %mul3A_219, %mul3A_220 : i32
        %add3A_222 = arith.constant 0 : i32
        %add3A_223 = arith.addi %mul3A_221, %add3A_222 : i32
        %dma_start3A_224 = arith.constant 0 : i32
        %dma_start3A_225 = tpu.memref_slice %arg10[%add3A_223] : memref<16384xf32, #tpu.memory_space<vmem>> -> memref<128xf32, #tpu.memory_space<vmem>>
        %dma_start3A_226 = tpu.memref_slice %arg8[%dma_start3A_224, %mul3A_217] : memref<3x4096xi32, #tpu.memory_space<vmem>> -> memref<1x128xi32, #tpu.memory_space<vmem>>
        %dma_start3A_227 = tpu.memref_squeeze %dma_start3A_226 : memref<1x128xi32, #tpu.memory_space<vmem>> -> memref<128xi32, #tpu.memory_space<vmem>>
        %dma_start3A_228 = arith.constant 0 : i32
        %dma_start3A_229 = tpu.memref_slice %arg3[%dma_start3A_228] : memref<50331648xf32, #tpu.memory_space<hbm>> -> memref<50331648xf32, #tpu.memory_space<hbm>>
        tpu.enqueue_indirect_dma source(%dma_start3A_229 : memref<50331648xf32, #tpu.memory_space<hbm>>) target(%dma_start3A_225 : memref<128xf32, #tpu.memory_space<vmem>>) offsets(%dma_start3A_227 : memref<128xi32, #tpu.memory_space<vmem>>) semaphore(%arg12 : memref<!tpu.dma_semaphore, #tpu.memory_space<semaphore_mem>>)
        %mul3A_230 = arith.constant 128 : i32
        %mul3A_231 = arith.muli %scan3A_215, %mul3A_230 : i32
        %mul3A_232 = arith.constant 4 : i32
        %mul3A_233 = arith.muli %scan3A_215, %mul3A_232 : i32
        %mul3A_234 = arith.constant 128 : i32
        %mul3A_235 = arith.muli %mul3A_233, %mul3A_234 : i32
        %add3A_236 = arith.constant 128 : i32
        %add3A_237 = arith.addi %mul3A_235, %add3A_236 : i32
        %dma_start3A_238 = arith.constant 1 : i32
        %dma_start3A_239 = tpu.memref_slice %arg10[%add3A_237] : memref<16384xf32, #tpu.memory_space<vmem>> -> memref<128xf32, #tpu.memory_space<vmem>>
        %dma_start3A_240 = tpu.memref_slice %arg8[%dma_start3A_238, %mul3A_231] : memref<3x4096xi32, #tpu.memory_space<vmem>> -> memref<1x128xi32, #tpu.memory_space<vmem>>
        %dma_start3A_241 = tpu.memref_squeeze %dma_start3A_240 : memref<1x128xi32, #tpu.memory_space<vmem>> -> memref<128xi32, #tpu.memory_space<vmem>>
        %dma_start3A_242 = arith.constant 0 : i32
        %dma_start3A_243 = tpu.memref_slice %arg3[%dma_start3A_242] : memref<50331648xf32, #tpu.memory_space<hbm>> -> memref<50331648xf32, #tpu.memory_space<hbm>>
        tpu.enqueue_indirect_dma source(%dma_start3A_243 : memref<50331648xf32, #tpu.memory_space<hbm>>) target(%dma_start3A_239 : memref<128xf32, #tpu.memory_space<vmem>>) offsets(%dma_start3A_241 : memref<128xi32, #tpu.memory_space<vmem>>) semaphore(%arg12 : memref<!tpu.dma_semaphore, #tpu.memory_space<semaphore_mem>>)
        %mul3A_244 = arith.constant 128 : i32
        %mul3A_245 = arith.muli %scan3A_215, %mul3A_244 : i32
        %mul3A_246 = arith.constant 4 : i32
        %mul3A_247 = arith.muli %scan3A_215, %mul3A_246 : i32
        %mul3A_248 = arith.constant 128 : i32
        %mul3A_249 = arith.muli %mul3A_247, %mul3A_248 : i32
        %add3A_250 = arith.constant 256 : i32
        %add3A_251 = arith.addi %mul3A_249, %add3A_250 : i32
        %dma_start3A_252 = arith.constant 2 : i32
        %dma_start3A_253 = tpu.memref_slice %arg10[%add3A_251] : memref<16384xf32, #tpu.memory_space<vmem>> -> memref<128xf32, #tpu.memory_space<vmem>>
        %dma_start3A_254 = tpu.memref_slice %arg8[%dma_start3A_252, %mul3A_245] : memref<3x4096xi32, #tpu.memory_space<vmem>> -> memref<1x128xi32, #tpu.memory_space<vmem>>
        %dma_start3A_255 = tpu.memref_squeeze %dma_start3A_254 : memref<1x128xi32, #tpu.memory_space<vmem>> -> memref<128xi32, #tpu.memory_space<vmem>>
        %dma_start3A_256 = arith.constant 0 : i32
        %dma_start3A_257 = tpu.memref_slice %arg3[%dma_start3A_256] : memref<50331648xf32, #tpu.memory_space<hbm>> -> memref<50331648xf32, #tpu.memory_space<hbm>>
        tpu.enqueue_indirect_dma source(%dma_start3A_257 : memref<50331648xf32, #tpu.memory_space<hbm>>) target(%dma_start3A_253 : memref<128xf32, #tpu.memory_space<vmem>>) offsets(%dma_start3A_255 : memref<128xi32, #tpu.memory_space<vmem>>) semaphore(%arg12 : memref<!tpu.dma_semaphore, #tpu.memory_space<semaphore_mem>>)
      }
      %scan3A_214 = arith.constant 32 : i32
    }
    %scan3A_75 = arith.constant 7 : i32
    %dma_wait3A_76 = arith.constant 0 : i32
    %dma_wait3A_77 = tpu.memref_slice %arg10[%dma_wait3A_76] : memref<16384xf32, #tpu.memory_space<vmem>> -> memref<12288xf32, #tpu.memory_space<vmem>>
    %dma_wait3A_78 = arith.constant 0 : i32
    %dma_wait3A_79 = tpu.memref_slice %arg3[%dma_wait3A_78] : memref<50331648xf32, #tpu.memory_space<hbm>> -> memref<12288xf32, #tpu.memory_space<hbm>>
    %dma_wait3A_80 = arith.constant 0 : i32
    %dma_wait3A_81 = tpu.memref_slice %arg10[%dma_wait3A_80] : memref<16384xf32, #tpu.memory_space<vmem>> -> memref<12288xf32, #tpu.memory_space<vmem>>
    %dma_wait3A_82 = arith.constant 0 : i32
    %dma_wait3A_83 = tpu.memref_slice %arg3[%dma_wait3A_82] : memref<50331648xf32, #tpu.memory_space<hbm>> -> memref<12288xf32, #tpu.memory_space<hbm>>
    tpu.wait_dma2 semaphore(%arg12 : memref<!tpu.dma_semaphore, #tpu.memory_space<semaphore_mem>>) src(%dma_wait3A_83 : memref<12288xf32, #tpu.memory_space<hbm>>) dst(%dma_wait3A_81 : memref<12288xf32, #tpu.memory_space<vmem>>)
    %mul3A_84 = arith.constant 65536 : i32
    %mul3A_85 = arith.muli %add3A, %mul3A_84 : i32
    %add3A_86 = arith.constant 61440 : i32
    %add3A_87 = arith.addi %mul3A_85, %add3A_86 : i32
    %mul3A_88 = arith.constant 4 : i32
    %mul3A_89 = arith.muli %mul3A_88, %add3A_87 : i32
    %dma_start3A_90 = tpu.memref_slice %arg4[%mul3A_89] : memref<8388608xf32, #tpu.memory_space<hbm>> -> memref<16384xf32, #tpu.memory_space<hbm>>
    %dma_start3A_91 = tpu.memref_slice %arg4[%mul3A_89] : memref<8388608xf32, #tpu.memory_space<hbm>> -> memref<16384xf32, #tpu.memory_space<hbm>>
    tpu.enqueue_dma source(%arg10 : memref<16384xf32, #tpu.memory_space<vmem>>) target(%dma_start3A_91 : memref<16384xf32, #tpu.memory_space<hbm>>) target_semaphore(%arg14 : memref<!tpu.dma_semaphore, #tpu.memory_space<semaphore_mem>>)
    %dma_wait3A_92 = arith.constant 0 : i32
    %dma_wait3A_93 = tpu.memref_slice %arg4[%dma_wait3A_92] : memref<8388608xf32, #tpu.memory_space<hbm>> -> memref<16384xf32, #tpu.memory_space<hbm>>
    %dma_wait3A_94 = arith.constant 0 : i32
    %dma_wait3A_95 = tpu.memref_slice %arg4[%dma_wait3A_94] : memref<8388608xf32, #tpu.memory_space<hbm>> -> memref<16384xf32, #tpu.memory_space<hbm>>
    tpu.wait_dma2 semaphore(%arg13 : memref<!tpu.dma_semaphore, #tpu.memory_space<semaphore_mem>>) src(%arg9 : memref<16384xf32, #tpu.memory_space<vmem>>) dst(%dma_wait3A_95 : memref<16384xf32, #tpu.memory_space<hbm>>)
    %dma_wait3A_96 = arith.constant 0 : i32
    %dma_wait3A_97 = tpu.memref_slice %arg4[%dma_wait3A_96] : memref<8388608xf32, #tpu.memory_space<hbm>> -> memref<16384xf32, #tpu.memory_space<hbm>>
    %dma_wait3A_98 = arith.constant 0 : i32
    %dma_wait3A_99 = tpu.memref_slice %arg4[%dma_wait3A_98] : memref<8388608xf32, #tpu.memory_space<hbm>> -> memref<16384xf32, #tpu.memory_space<hbm>>
    tpu.wait_dma2 semaphore(%arg14 : memref<!tpu.dma_semaphore, #tpu.memory_space<semaphore_mem>>) src(%arg10 : memref<16384xf32, #tpu.memory_space<vmem>>) dst(%dma_wait3A_99 : memref<16384xf32, #tpu.memory_space<hbm>>)
    %dma_wait3A_100 = arith.constant 0 : i32
    %dma_wait3A_101 = tpu.memref_slice %arg2[%dma_wait3A_100] : memref<4194304xf32, #tpu.memory_space<hbm>> -> memref<8192xf32, #tpu.memory_space<hbm>>
    %dma_wait3A_102 = arith.constant 0 : i32
    %dma_wait3A_103 = tpu.memref_slice %arg2[%dma_wait3A_102] : memref<4194304xf32, #tpu.memory_space<hbm>> -> memref<8192xf32, #tpu.memory_space<hbm>>
    tpu.wait_dma2 semaphore(%arg11 : memref<!tpu.dma_semaphore, #tpu.memory_space<semaphore_mem>>) src(%dma_wait3A_103 : memref<8192xf32, #tpu.memory_space<hbm>>) dst(%arg5 : memref<8192xf32, #tpu.memory_space<vmem>>)
    return
  }
}

</mosaic_0001>

<sc_bundles>
// kernel: kernel.3.cloned.1.call-start
scs
__scs_entry_jumppad:
0x0: {  	(pc) =	sbr.rel $0x88, $3  }
0x1: {  	(tag) =	ssettag $0x0;
	lr =	simm.s32 $0x1  }
0x2: {  	[smem:$0x3F9F] =	sst lr;
	_ =	strace $0xD0000000  }
0x3: {  	_ = 	snop  }
0x4: {  	_ = 	snop  }
0x5: {  	_ = 	snop  }
0x6: {  	_ = 	snop  }
0x7: {  	_ = 	snop  }
__scs_overlays_trampoline_lowered:
0x8: {  	[smem:$0x3FAE] =	sst s0  }
0x9: {  	[smem:$0x3FAF] =	sst s1  }
0xa: {  	[smem:$0x3FB0] =	sst s2  }
0xb: {  	[smem:$0x3FB1] =	sst s3  }
0xc: {  	[smem:$0x3FB2] =	sst s4  }
0xd: {  	[smem:$0x3FB3] =	sst s5  }
0xe: {  	[smem:$0x3FB4] =	sst s6  }
0xf: {  	[smem:$0x3FB5] =	sst s7  }
0x10: {  	[smem:$0x3FB6] =	sst s8  }
0x11: {  	[smem:$0x3FB7] =	sst s9;
	s0 =	simm.s32 @!p0 $0x0  }
0x12: {  	s1 =	sld [smem:$0x3F9D];
	s0 =	simm.s32 @p0 $0x1  }
0x13: {  	[smem:$0x3FB8] =	sst s0;
	s0 =	simm.s32 @!p1 $0x0  }
0x14: {  	s2 =	sld [smem:$0x3F9C];
	s0 =	simm.s32 @p1 $0x1  }
0x15: {  	[smem:$0x3FB9] =	sst s0;
	s0 =	simm.s32 @!p2 $0x0  }
0x16: {  	s3 =	sld [smem:$0x3FDB];
	s0 =	simm.s32 @p2 $0x1  }
0x17: {  	s4 =	simm.s32 $0x1BF5;
	[smem:$0x3FBB] =	sst s0  }
0x18: {  	s0 =	sld [smem:$0x3F9E];
	_ =	swait.ge [sflag:s4], $0x0  }
0x19: {  	s7 =	sld [smem:$0x3F9F]  }
0x1a: {  	s8 =	sadd.s32 $0xFFFFE003, lr  }
0x1b: {  	s9 =	sadd.s32 $0xFFFFFEF7, lr;
	s5 =	simm.s32 $0xFFFFFFFF;
	p2 =	slt.u32 s8, $0xFFFFF086  }
0x1c: {  	p1 =	slt.u32 s9, $0xF7A;
	s5 =	simm.s32 @!p2 $0x0  }
0x1d: {  	s5 =	simm.s32 @p1 $0x1;
	p0 =	seq.s32 s7, s2  }
0x1e: {  	s7 =	smul.u32 @!p0 $0xF7A, s2;
	p2 =	seq.s32 @!p0 s5, $0x0  }
0x1f: {  	s9 =	smul.u32 $0xF7A, s1;
	s8 =	simm.s32 @!p0 $0x1BF5;
	p2 =	por !p2, p0  }
0x20: {  	[sflag:s8] =	ssyncset.s32 @!p0 $0xFFFFF086;
	s6 =	sadd.s32 @!p0 s3, s7;
	s7 =	simm.s32 @!p0 $0x108  }
0x21: {  	s3 =	sadd.s32 s3, s9;
	s6 =	sadd.s32 @!p0 $0x88, s6;
	s7 =	simm.s32 @p2 $0x1082  }
0x22: {  	[simem:s7], [sflag:s8] =	dma.local @!p0 [hbm:s6], $0xF7A  }
0x23: {  	s9 =	sor.u32 $0xD0000000, s2;
	s6 =	simm.s32 $0x108;
	_ =	swait.ge @!p0 [sflag:s8], $0x0  }
0x24: {  	s3 =	sadd.s32 $0x88, s3;
	s6 =	simm.s32 @!p1 $0x1082;
	[sflag:s4] =	ssyncset.s32 $0xFFFFF086  }
0x25: {  	[simem:s6], [sflag:s4] =	dma.local [hbm:s3], $0xF7A  }
0x26: {  	[smem:$0x3F9F] =	sst s1;
	(tag) =	ssettag s2;
	_ =	strace s9  }
0x27: {  	s1 =	sld [smem:$0x3FAF]  }
0x28: {  	s2 =	sld [smem:$0x3FB0]  }
0x29: {  	s4 =	sld [smem:$0x3FB2]  }
0x2a: {  	p0 =	seq.s32 s5, $0x0;
	s5 =	sld [smem:$0x3FB3]  }
0x2b: {  	s6 =	sld [smem:$0x3FB4]  }
0x2c: {  	s7 =	sld [smem:$0x3FB5]  }
0x2d: {  	s3 =	simm.s32 $0x108;
	s8 =	sld [smem:$0x3FB6]  }
0x2e: {  	s3 =	simm.s32 @!p0 $0x1082;
	s9 =	sld [smem:$0x3FB7]  }
0x2f: {  	lr =	sadd.s32 s0, s3;
	s0 =	sld [smem:$0x3FAE]  }
0x30: {  	s3 =	sld [smem:$0x3FB1]  }
0x31: {  	[smem:$0x3FBA] =	sst s10  }
0x32: {  	s10 =	sld [smem:$0x3FB8];
	_ =	sdelay $0x3  }
0x33: {  	p0 =	seq.s32 s10, $0x1;
	s10 =	sld [smem:$0x3FBA];
	_ =	sdelay $0x3  }
0x34: {  	[smem:$0x3FBA] =	sst s10  }
0x35: {  	s10 =	sld [smem:$0x3FB9];
	_ =	sdelay $0x3  }
0x36: {  	p1 =	seq.s32 s10, $0x1;
	s10 =	sld [smem:$0x3FBA];
	_ =	sdelay $0x3  }
0x37: {  	[smem:$0x3FBA] =	sst s10  }
0x38: {  	s10 =	sld [smem:$0x3FBB]  }
0x39: {  	_ = 	snop;
	(pc) =	sbr.ind lr, $3  }
0x3a: {  	_ = 	snop  }
0x3b: {  	_ = 	snop  }
0x3c: {  	p2 =	seq.s32 s10, $0x1;
	s10 =	sld [smem:$0x3FBA]  }
0x3d: {  	_ =	shalt  }
0x3e: {  	_ =	shalt  }
0x3f: {  	_ =	shalt  }
0x40: {  	_ =	shalt  }
0x41: {  	_ =	shalt  }
0x42: {  	_ =	shalt  }
0x43: {  	_ =	shalt  }
0x44: {  	_ =	shalt  }
0x45: {  	_ =	shalt  }
0x46: {  	_ =	shalt  }
0x47: {  	_ =	shalt  }
0x48: {  	_ =	shalt  }
0x49: {  	_ =	shalt  }
0x4a: {  	_ =	shalt  }
0x4b: {  	_ =	shalt  }
0x4c: {  	_ =	shalt  }
0x4d: {  	_ =	shalt  }
0x4e: {  	_ =	shalt  }
0x4f: {  	_ =	shalt  }
0x50: {  	_ =	shalt  }
0x51: {  	_ =	shalt  }
0x52: {  	_ =	shalt  }
0x53: {  	_ =	shalt  }
0x54: {  	_ =	shalt  }
0x55: {  	_ =	shalt  }
0x56: {  	_ =	shalt  }
0x57: {  	_ =	shalt  }
0x58: {  	_ =	shalt  }
0x59: {  	_ =	shalt  }
0x5a: {  	_ =	shalt  }
0x5b: {  	_ =	shalt  }
0x5c: {  	_ =	shalt  }
0x5d: {  	_ =	shalt  }
0x5e: {  	_ =	shalt  }
0x5f: {  	_ =	shalt  }
0x60: {  	_ =	shalt  }
0x61: {  	_ =	shalt  }
0x62: {  	_ =	shalt  }
0x63: {  	_ =	shalt  }
0x64: {  	_ =	shalt  }
0x65: {  	_ =	shalt  }
0x66: {  	_ =	shalt  }
0x67: {  	_ =	shalt  }
0x68: {  	_ =	shalt  }
0x69: {  	_ =	shalt  }
0x6a: {  	_ =	shalt  }
0x6b: {  	_ =	shalt  }
0x6c: {  	_ =	shalt  }
0x6d: {  	_ =	shalt  }
0x6e: {  	_ =	shalt  }
0x6f: {  	_ =	shalt  }
0x70: {  	_ =	shalt  }
0x71: {  	_ =	shalt  }
0x72: {  	_ =	shalt  }
0x73: {  	_ =	shalt  }
0x74: {  	_ =	shalt  }
0x75: {  	_ =	shalt  }
0x76: {  	_ =	shalt  }
0x77: {  	_ =	shalt  }
0x78: {  	_ =	shalt  }
0x79: {  	_ =	shalt  }
0x7a: {  	_ =	shalt  }
0x7b: {  	_ =	shalt  }
0x7c: {  	_ =	shalt  }
0x7d: {  	_ =	shalt  }
0x7e: {  	_ =	shalt  }
0x7f: {  	_ =	shalt  }
0x80: {  	_ =	shalt  }
0x81: {  	_ =	shalt  }
0x82: {  	_ =	shalt  }
0x83: {  	_ =	shalt  }
0x84: {  	_ =	shalt  }
0x85: {  	_ =	shalt  }
0x86: {  	_ =	shalt  }
0x87: {  	_ =	shalt  }
.Lfunc_end0:
.L_simem_size_0:
called_computation_lowered:
.L_overlay_start_0:
0x88: {  	s2 =	sld [smem:$0x3FD9]  }
0x89: {  	s3 =	sld [smem:$0x3FFE];
	_ =	sdelay $0x1  }
0x8a: {  	s1 =	srdreg.scid  }
0x8b: {  	s0 =	sand.u32 $0x1, s1  }
0x8c: {  	s17 =	sshll.u32 s0, $0xA;
	s2 =	sadd.s32 s3, s2  }
0x8d: {  	s2 =	sadd.s32 s2, s17  }
0x8e: {  	[smem:$0x3FC6] =	sst s2  }
0x8f: {  	_ = 	snop  }
0x90: {  	s2 =	sld [smem:$0x3FC9]  }
0x91: {  	s18 =	sld [smem:$0x3FC8];
	(tm) =	ssettm $0x1  }
0x92: {  	s4 =	sld [smem:$0x3FFB];
	_ =	sdelay $0x3  }
0x93: {  	_ =	strace s4  }
0x94: {  	s4 =	sld [smem:$0x3FFC];
	_ =	sdelay $0x3  }
0x95: {  	_ =	strace s4  }
0x96: {  	s4 =	sld [smem:$0x3FFD];
	_ =	sdelay $0x3  }
0x97: {  	_ =	strace s4  }
0x98: {  	_ =	strace $0x8FFFFFFF  }
0x99: {  	s19 =	sld [smem:$0x3FDB];
	_ =	sdelay $0x1  }
0x9a: {  	s5 =	simm.s32 $_scs_section_size  }
0x9b: {  	s6 =	simm.s32 $_size__tile_overlayer_lowered;
	s7 =	simm.s32 $_tile_overlayer_lowered  }
0x9c: {  	s22 =	simm.s32 $0x1BFF;
	s21 =	sshll.u32 s7, $0x1;
	s4 =	sadd.s32 s5, s19  }
0x9d: {  	s8 =	simm.s32 $0x0;
	s20 =	sshll.u32 s6, $0x1;
	s6 =	sadd.s32 s21, s4  }
0x9e: {  	[timem:s8], [sflag:s22] =	dma.local [hbm:s6], s20  }
0x9f: {  	_ =	swait.ge [sflag:s22], s20  }
0xa0: {  	s5 =	ssub.s32 $0x0, s20;
	[sflag:s22] =	ssyncset.done $0x0  }
0xa1: {  	[sflag:s22] =	ssyncadd.s32 s5;
	_ =	sdelay $0x1  }
0xa2: {  	s23 =	simm.s32 $0x1B8B  }
0xa3: {  	_ =	swait.ge [sflag:s23], $0x1  }
0xa4: {  	[sflag:s23] =	ssyncset.done $0x0  }
0xa5: {  	s25 =	simm.s32 $0x1B8E;
	s24 =	sld [smem:$0x3FFE];
	[sflag:s23] =	ssyncadd.s32 $0xFFFFFFFF  }
0xa6: {  	s26 =	simm.s32 $execute0_lowered;
	[smem:$0x3FD2] =	sst s25  }
0xa7: {  	s6 =	sshll.u32 s26, $0x1;
	_ =	strace $0x80000046;
	[dreg:$0x1] =	wrdreg $0xFFFFFFFF  }
0xa8: {  	s28 =	simm.s32 $_size_execute0_lowered;
	s4 =	sadd.s32 s4, s6;
	[dreg:$0x0] =	wrdreg $0x0  }
0xa9: {  	s6 =	sshll.u32 s28, $0x1;
	[dreg:$0x2] =	wrdreg s4  }
0xaa: {  	[dreg:$0x3] =	wrdreg s6  }
0xab: {  	[dreg:$0x4] =	wrdreg $0xC0  }
0xac: {  	_ =	task [dreg:s8], $0x5FFFF  }
0xad: {  	[dreg:$0x1] =	wrdreg $0xFFFFFFFF  }
0xae: {  	[dreg:$0x0] =	wrdreg $0x60  }
0xaf: {  	[dreg:$0x2] =	wrdreg s2  }
0xb0: {  	[dreg:$0x3] =	wrdreg s18  }
0xb1: {  	[dreg:$0x4] =	wrdreg s24  }
0xb2: {  	[dreg:$0x5] =	wrdreg $0x9  }
0xb3: {  	_ =	task.clear_ibuf [dreg:s8], $0x6FFFF;
	_ =	strace $0x90000046  }
0xb4: {  	s29 =	simm.s32 $0x9;
	_ =	strace $0x80000048  }
0xb5: {  	_ =	swait.ge [sflag:s29], $0x1  }
0xb6: {  	[sflag:s29] =	ssyncadd.s32 $0xFFFFFFFF  }
0xb7: {  	_ =	strace $0x90000048  }
0xb8: {  	_ =	sfence  }
0xb9: {  	s30 =	sld [smem:$0x0];
	_ =	sdelay $0x2  }
0xba: {  	s31 =	sshll.u32 s1, $0xD;
	s1 =	sshrl.u32 s1, $0x2  }
0xbb: {  	s3 =	sand.u32 $0x4000, s31;
	s1 =	sadd.s32 s1, s30  }
0xbc: {  	s0 =	sor.u32 s3, s0;
	s1 =	sshll.u32 s1, $0x11  }
0xbd: {  	s0 =	sor.u32 s1, s0  }
0xbe: {  	s0 =	sadd.s32 $0x8F2B, s0  }
0xbf: {  	[sflag:s0] =	ssyncadd.remote.s32 $0x1  }
0xc0: {  	_ =	sfence.sel $0xFFFF  }
0xc1: {  	[dreg:$0x0] =	wrdreg $0xFFFFFFFF;
	(pc) =	sbr.abs _section_cstart, $3  }
0xc2: {  	[dreg:$0x1] =	wrdreg $0xFFFFFFFF  }
0xc3: {  	_ =	task.clear_ibuf [dreg:s8], $0x2FFFF;
	_ =	strace $0x9FFFFFFF  }
0xc4: {  	(tm) =	ssettm $0x7FFFFFFF  }
0xc5: {  	_ =	shalt  }
tec
execute0_lowered:
.L_overlay_start_1:
0x0: {  	(tag) =	ssettag $0x1  }
0x1: {  	s5 =	rddreg [dreg:$0x0]  }
0x2: {  	s1 =	rddreg [dreg:$0x1]  }
0x3: {  	s4 =	rddreg [dreg:$0x2]  }
0x4: {  	s0 =	rddreg [dreg:$0x3]  }
0x5: {  	s3 =	simm.s32 $0x0;
	s6 =	srdreg.scid;
	s2 =	stileid.u32  }
0x6: {  	s12 =	simm.s32 $0x1;
	s13 =	simm.s32 $0x2000;
	s14 =	simm.s32 $0x80  }
0x7: {  	s15 =	simm.s32 $0x2;
	s16 =	simm.s32 $0xA000;
	s17 =	simm.s32 $0xE000  }
0x8: {  	s18 =	simm.s32 $0x3;
	s19 =	simm.s32 $0x4;
	s20 =	simm.s32 $0x0  }
0x9: {  	[smem:$0x7FF] =	sst s3;
	s6 =	sand.u32 $0x1, s6;
	s7 =	sshll.u32 s2, $0x1  }
0xa: {  	s4 =	sadd.s32 $0x400, s4;
	s8 =	ssub.s32 $0x2, s6;
	s6 =	sor.u32 s6, s7  }
0xb: {  	_ =	strace $0x80000047;
	s30 =	sshrl.u32 s8, $0x1;
	s9 =	sshll.u32 s6, $0xE  }
0xc: {  	s31 =	sshll.u32 s6, $0xF;
	s11 =	ssub.s32 s8, s30;
	s5 =	sadd.s32 s5, s9  }
0xd: {  	s8 =	sadd.s32 s4, s31;
	s9 =	sadd.s32 $0x1FFFF800, s31;
	s6 =	sadd.s32 $0x400, s5  }
0xe: {  	v0 =	vimm.s32 $0x0;
	s7 =	sadd.s32 $0x800, s5;
	s10 =	sadd.s32 $0x7800, s8;
	s11 =	smax.u32 s11, $0x1  }
.LBB2_1:
0xf: {  	[tilespmem:s3], [sflag:$0x1] =	stream.linear.gather [hbm4b:s5+s3], $0x2000, $0x38;
	[tilespmem:$0x12000] =	vst v63  }
0x10: {  	_ =	swait.ge [sflag:s12], $0x2000  }
0x11: {  	s21 =	sand.u32 $0x1F00, s3;
	s22 =	sand.u32 $0x70, s3;
	[sflag:s12] =	ssyncset.done $0x0  }
0x12: {  	s21 =	sor.u32 s22, s21;
	[sflag:s12] =	ssyncadd.s32 $0xFFFFE000  }
0x13: {  	[tilespmem:s13], [sflag:$0x1] =	stream.linear.gather [hbm4b:s6+s3], $0x2000, $0x38;
	[tilespmem:$0x12000] =	vst v63  }
0x14: {  	v1 =	vld [tilespmem:s21+$0x0];
	_ =	sdelay $0x1  }
0x15: {  	v2 =	vld [tilespmem:s21+$0x80];
	_ =	sdelay $0x2  }
0x16: {  	v1 =	vadd.f32 $1.000000000e+00, v1;
	_ =	sdelay $0x1  }
0x17: {  	v2 =	vadd.f32 $1.000000000e+00, v2;
	v1 =	vmul.f32 $5.000000000e-01, v1;
	_ =	sdelay $0x1  }
0x18: {  	v2 =	vmul.f32 $5.000000000e-01, v2;
	v1 =	vmul.f32 $4.095000000e+03, v1;
	_ =	sdelay $0x1  }
0x19: {  	v2 =	vmul.f32 $4.095000000e+03, v2;
	v3 =	vtrunc.f32 v1  }
0x1a: {  	v3 =	vcvt.f32.s32 v3  }
0x1b: {  	v4 =	vtrunc.f32 v2  }
0x1c: {  	v4 =	vcvt.f32.s32 v4;
	v5 =	vcvt.s32.f32 v3;
	_ =	sdelay $0x1  }
0x1d: {  	v62 =	vcvt.s32.f32 v4;
	v1 =	vsub.f32 v1, v5;
	_ =	sdelay $0x1  }
0x1e: {  	vm0 =	vge.f32 v1, $5.000000000e-01;
	v1 =	vsub.f32 v2, v62  }
0x1f: {  	v2 =	vsel vm0, $0x1, v0  }
0x20: {  	v2 =	vadd.s32 v3, v2;
	vm14 =	vge.f32 v1, $5.000000000e-01  }
0x21: {  	vm1 =	vlt.s32 v2, $0xFFF;
	v1 =	vsel vm14, $0x1, v0  }
0x22: {  	v2 =	vnsel vm1, $0xFFF, v2;
	v1 =	vadd.s32 v4, v1  }
0x23: {  	vm15 =	vlt.s32 v1, $0xFFF;
	v3 =	vshll.u32 v2, $0xC;
	v2 =	vshll.u32 v2, $0x7  }
0x24: {  	v1 =	vnsel vm15, $0xFFF, v1;
	v3 =	vand.u32 $0xFFFF8000, v3;
	v2 =	vand.u32 $0x380, v2  }
0x25: {  	v63 =	vshll.u32 v1, $0x3;
	v1 =	vand.u32 $0x7F, v1;
	v2 =	vor.u32 v3, v2  }
0x26: {  	v3 =	vand.u32 $0xFFFFFC00, v63;
	v1 =	vor.u32 v1, v2  }
0x27: {  	s21 =	simm.s32 $0x6000;
	v1 =	vor.u32 v3, v1  }
0x28: {  	s23 =	simm.s32 $0x20;
	s22 =	simm.s32 $0x10;
	[tilespmem:s21+$0xFFFFE000] =	vst v1;
	v2 =	vadd.s32 $0x1000000, v1  }
0x29: {  	s24 =	sand.u32 $0x1F00, s23;
	s23 =	simm.s32 $0x40;
	s25 =	sand.u32 $0x70, s22;
	v1 =	vadd.s32 $0x2000000, v1;
	[tilespmem:s21+$0xFFFFF000] =	vst v2  }
.LBB2_2:
0x2a: {  	p0 =	sne.s32 s23, $0x1FE0;
	s24 =	sor.u32 s25, s24;
	[tilespmem:s21+$0x0] =	vst v1  }
0x2b: {  	v1 =	vld [tilespmem:s24+$0x0]  }
0x2c: {  	v2 =	vld [tilespmem:s24+$0x80];
	_ =	sdelay $0x3  }
0x2d: {  	v1 =	vadd.f32 $1.000000000e+00, v1;
	_ =	sdelay $0x1  }
0x2e: {  	v2 =	vadd.f32 $1.000000000e+00, v2;
	v1 =	vmul.f32 $5.000000000e-01, v1;
	_ =	sdelay $0x1  }
0x2f: {  	v2 =	vmul.f32 $5.000000000e-01, v2;
	v1 =	vmul.f32 $4.095000000e+03, v1;
	_ =	sdelay $0x1  }
0x30: {  	v2 =	vmul.f32 $4.095000000e+03, v2;
	v3 =	vtrunc.f32 v1  }
0x31: {  	v3 =	vcvt.f32.s32 v3  }
0x32: {  	v4 =	vtrunc.f32 v2  }
0x33: {  	v4 =	vcvt.f32.s32 v4;
	v5 =	vcvt.s32.f32 v3;
	_ =	sdelay $0x1  }
0x34: {  	v1 =	vsub.f32 v1, v5;
	v5 =	vcvt.s32.f32 v4;
	_ =	sdelay $0x1  }
0x35: {  	vm0 =	vge.f32 v1, $5.000000000e-01;
	v1 =	vsub.f32 v2, v5  }
0x36: {  	v2 =	vsel vm0, $0x1, v0  }
0x37: {  	v2 =	vadd.s32 v3, v2;
	vm0 =	vge.f32 v1, $5.000000000e-01  }
0x38: {  	vm1 =	vlt.s32 v2, $0xFFF;
	v1 =	vsel vm0, $0x1, v0  }
0x39: {  	v2 =	vnsel vm1, $0xFFF, v2;
	v1 =	vadd.s32 v4, v1  }
0x3a: {  	vm0 =	vlt.s32 v1, $0xFFF;
	v3 =	vshll.u32 v2, $0xC;
	v2 =	vshll.u32 v2, $0x7  }
0x3b: {  	v1 =	vnsel vm0, $0xFFF, v1;
	v3 =	vand.u32 $0xFFFF8000, v3;
	v2 =	vand.u32 $0x380, v2  }
.Ltmp0:
0x3c: {  	v4 =	vshll.u32 v1, $0x3;
	v1 =	vand.u32 $0x7F, v1;
	v2 =	vor.u32 v3, v2;
	(pc) =	sbr.rel @p0 .LBB2_2-.Ltmp0, $4  }
0x3d: {  	v3 =	vand.u32 $0xFFFFFC00, v4;
	v1 =	vor.u32 v1, v2  }
0x3e: {  	s21 =	sadd.s32 $0x10, s21;
	v1 =	vor.u32 v3, v1  }
0x3f: {  	s22 =	sadd.s32 $0x10, s22;
	[tilespmem:s21+$0xFFFFE000] =	vst v1;
	v2 =	vadd.s32 $0x1000000, v1;
	v1 =	vadd.s32 $0x2000000, v1  }
0x40: {  	s25 =	sand.u32 $0x70, s22;
	s24 =	sand.u32 $0x1F00, s23;
	s23 =	sadd.s32 $0x20, s23;
	[tilespmem:s21+$0xFFFFF000] =	vst v2  }
0x41: {  	s22 =	sor.u32 s25, s24;
	[tilespmem:s21+$0x0] =	vst v1  }
0x42: {  	v1 =	vld [tilespmem:s22+$0x0];
	_ =	sdelay $0x1  }
0x43: {  	v2 =	vld [tilespmem:s22+$0x80];
	_ =	sdelay $0x2  }
0x44: {  	v1 =	vadd.f32 $1.000000000e+00, v1;
	_ =	sdelay $0x1  }
0x45: {  	v2 =	vadd.f32 $1.000000000e+00, v2;
	v1 =	vmul.f32 $5.000000000e-01, v1;
	_ =	sdelay $0x1  }
0x46: {  	v2 =	vmul.f32 $5.000000000e-01, v2;
	v1 =	vmul.f32 $4.095000000e+03, v1;
	_ =	sdelay $0x1  }
0x47: {  	v2 =	vmul.f32 $4.095000000e+03, v2;
	v3 =	vtrunc.f32 v1  }
0x48: {  	v3 =	vcvt.f32.s32 v3  }
0x49: {  	v4 =	vtrunc.f32 v2  }
0x4a: {  	v4 =	vcvt.f32.s32 v4;
	v5 =	vcvt.s32.f32 v3;
	_ =	sdelay $0x1  }
0x4b: {  	v62 =	vcvt.s32.f32 v4;
	v1 =	vsub.f32 v1, v5;
	_ =	sdelay $0x1  }
0x4c: {  	vm0 =	vge.f32 v1, $5.000000000e-01;
	v1 =	vsub.f32 v2, v62  }
0x4d: {  	v2 =	vsel vm0, $0x1, v0  }
0x4e: {  	v2 =	vadd.s32 v3, v2;
	vm14 =	vge.f32 v1, $5.000000000e-01  }
0x4f: {  	vm1 =	vlt.s32 v2, $0xFFF;
	v1 =	vsel vm14, $0x1, v0  }
0x50: {  	v2 =	vnsel vm1, $0xFFF, v2;
	v1 =	vadd.s32 v4, v1  }
0x51: {  	vm15 =	vlt.s32 v1, $0xFFF;
	v3 =	vshll.u32 v2, $0xC;
	v2 =	vshll.u32 v2, $0x7  }
0x52: {  	v1 =	vnsel vm15, $0xFFF, v1;
	v3 =	vand.u32 $0xFFFF8000, v3;
	v2 =	vand.u32 $0x380, v2  }
0x53: {  	v63 =	vshll.u32 v1, $0x3;
	v1 =	vand.u32 $0x7F, v1;
	v2 =	vor.u32 v3, v2  }
0x54: {  	v3 =	vand.u32 $0xFFFFFC00, v63;
	v1 =	vor.u32 v1, v2  }
0x55: {  	s26 =	sadd.s32 $0x10, s21;
	v1 =	vor.u32 v3, v1  }
0x56: {  	[tilespmem:s26+$0xFFFFE000] =	vst v1;
	v2 =	vadd.s32 $0x1000000, v1  }
0x57: {  	v1 =	vadd.s32 $0x2000000, v1;
	[tilespmem:s26+$0xFFFFF000] =	vst v2  }
0x58: {  	s21 =	simm.s32 $0x4000;
	s28 =	simm.s32 $0xA000;
	[tilespmem:s26+$0x0] =	vst v1  }
0x59: {  	[tilespmem:s28], [sflag:$0x2] =	stream.indirect.gather [hbm4b:s1+s14], $0x1, s21, s14, $0xb8;
	[tilespmem:$0x12000] =	vst v63  }
0x5a: {  	s29 =	simm.s32 $0xA080;
	s23 =	simm.s32 $0x5000;
	s30 =	simm.s32 $0xA100  }
0x5b: {  	[tilespmem:s29], [sflag:$0x2] =	stream.indirect.gather [hbm4b:s1+s14], $0x1, s23, s14, $0xb8;
	[tilespmem:$0x12000] =	vst v63  }
0x5c: {  	s31 =	simm.s32 $0x6000;
	s22 =	simm.s32 $0x200;
	s23 =	simm.s32 $0x1000  }
0x5d: {  	[tilespmem:s30], [sflag:$0x2] =	stream.indirect.gather [hbm4b:s1+s14], $0x1, s31, s14, $0xb8;
	[tilespmem:$0x12000] =	vst v63  }
.LBB2_4:
0x5e: {  	p0 =	sne.s32 s23, $0xF800;
	s24 =	sadd.s32 $0xA000, s22;
	s21 =	sadd.s32 $0x80, s21  }
0x5f: {  	[tilespmem:s24], [sflag:$0x2] =	stream.indirect.gather [hbm4b:s1+s14], $0x1, s21, s14, $0xb8;
	[tilespmem:$0x12000] =	vst v63  }
.Ltmp1:
0x60: {  	s24 =	sadd.s32 $0xA080, s22;
	s25 =	sadd.s32 $0x1000, s21;
	(pc) =	sbr.rel @p0 .LBB2_4-.Ltmp1, $4  }
0x61: {  	[tilespmem:s24], [sflag:$0x2] =	stream.indirect.gather [hbm4b:s1+s14], $0x1, s25, s14, $0xb8;
	[tilespmem:$0x12000] =	vst v63  }
0x62: {  	s22 =	sadd.s32 $0xA100, s22;
	s24 =	sadd.s32 $0x2000, s21  }
0x63: {  	[tilespmem:s22], [sflag:$0x2] =	stream.indirect.gather [hbm4b:s1+s14], $0x1, s24, s14, $0xb8;
	[tilespmem:$0x12000] =	vst v63  }
0x64: {  	s22 =	sshra.s32 s23, $0x2;
	s23 =	sadd.s32 $0x800, s23  }
0x65: {  	s23 =	sadd.s32 $0xA000, s22;
	s21 =	sadd.s32 $0x80, s21  }
0x66: {  	[tilespmem:s23], [sflag:$0x2] =	stream.indirect.gather [hbm4b:s1+s14], $0x1, s21, s14, $0xb8;
	[tilespmem:$0x12000] =	vst v63  }
0x67: {  	s26 =	sadd.s32 $0xA080, s22;
	s24 =	sadd.s32 $0x1000, s21  }
0x68: {  	[tilespmem:s26], [sflag:$0x2] =	stream.indirect.gather [hbm4b:s1+s14], $0x1, s24, s14, $0xb8;
	[tilespmem:$0x12000] =	vst v63  }
0x69: {  	s28 =	sadd.s32 $0xA100, s22;
	s21 =	sadd.s32 $0x2000, s21  }
0x6a: {  	[tilespmem:s28], [sflag:$0x2] =	stream.indirect.gather [hbm4b:s1+s14], $0x1, s21, s14, $0xb8;
	[tilespmem:$0x12000] =	vst v63  }
0x6b: {  	s29 =	simm.s32 $0x0  }
0x6c: {  	[tilespmem:s29], [sflag:$0x1] =	stream.linear.gather [hbm4b:s7+s29], $0x2000, $0x38;
	[tilespmem:$0x12000] =	vst v63  }
0x6d: {  	_ =	swait.ge [sflag:s12], $0x2000  }
0x6e: {  	s30 =	sand.u32 $0x1F00, s29;
	s21 =	sand.u32 $0x70, s29;
	[sflag:s12] =	ssyncset.done $0x0  }
0x6f: {  	s21 =	sor.u32 s21, s30;
	[sflag:s12] =	ssyncadd.s32 $0xFFFFE000  }
0x70: {  	v1 =	vld [tilespmem:s21+$0x2000];
	_ =	sdelay $0x1  }
0x71: {  	v2 =	vld [tilespmem:s21+$0x2080];
	_ =	sdelay $0x2  }
0x72: {  	v1 =	vadd.f32 $1.000000000e+00, v1;
	_ =	sdelay $0x1  }
0x73: {  	v2 =	vadd.f32 $1.000000000e+00, v2;
	v1 =	vmul.f32 $5.000000000e-01, v1;
	_ =	sdelay $0x1  }
0x74: {  	v2 =	vmul.f32 $5.000000000e-01, v2;
	v1 =	vmul.f32 $4.095000000e+03, v1;
	_ =	sdelay $0x1  }
0x75: {  	v2 =	vmul.f32 $4.095000000e+03, v2;
	v3 =	vtrunc.f32 v1  }
0x76: {  	v3 =	vcvt.f32.s32 v3  }
0x77: {  	v4 =	vtrunc.f32 v2  }
0x78: {  	v4 =	vcvt.f32.s32 v4;
	v5 =	vcvt.s32.f32 v3;
	_ =	sdelay $0x1  }
0x79: {  	v62 =	vcvt.s32.f32 v4;
	v1 =	vsub.f32 v1, v5;
	_ =	sdelay $0x1  }
0x7a: {  	vm0 =	vge.f32 v1, $5.000000000e-01;
	v1 =	vsub.f32 v2, v62  }
0x7b: {  	v2 =	vsel vm0, $0x1, v0  }
0x7c: {  	v2 =	vadd.s32 v3, v2;
	vm14 =	vge.f32 v1, $5.000000000e-01  }
0x7d: {  	vm1 =	vlt.s32 v2, $0xFFF;
	v1 =	vsel vm14, $0x1, v0  }
0x7e: {  	v2 =	vnsel vm1, $0xFFF, v2;
	v1 =	vadd.s32 v4, v1  }
0x7f: {  	vm15 =	vlt.s32 v1, $0xFFF;
	v3 =	vshll.u32 v2, $0xC;
	v2 =	vshll.u32 v2, $0x7  }
0x80: {  	v1 =	vnsel vm15, $0xFFF, v1;
	v3 =	vand.u32 $0xFFFF8000, v3;
	v2 =	vand.u32 $0x380, v2  }
0x81: {  	v63 =	vshll.u32 v1, $0x3;
	v1 =	vand.u32 $0x7F, v1;
	v2 =	vor.u32 v3, v2  }
0x82: {  	v3 =	vand.u32 $0xFFFFFC00, v63;
	v1 =	vor.u32 v1, v2  }
0x83: {  	s21 =	simm.s32 $0x9000;
	v1 =	vor.u32 v3, v1  }
0x84: {  	s31 =	simm.s32 $0x20;
	s22 =	simm.s32 $0x10;
	[tilespmem:s21+$0xFFFFE000] =	vst v1;
	v2 =	vadd.s32 $0x1000000, v1  }
0x85: {  	s25 =	sand.u32 $0x70, s22;
	s23 =	simm.s32 $0x40;
	s24 =	sand.u32 $0x1F00, s31;
	v1 =	vadd.s32 $0x2000000, v1;
	[tilespmem:s21+$0xFFFFF000] =	vst v2  }
.LBB2_6:
0x86: {  	p0 =	sne.s32 s23, $0x1FE0;
	s24 =	sor.u32 s25, s24;
	[tilespmem:s21+$0x0] =	vst v1  }
0x87: {  	v1 =	vld [tilespmem:s24+$0x2000]  }
0x88: {  	v2 =	vld [tilespmem:s24+$0x2080];
	_ =	sdelay $0x3  }
0x89: {  	v1 =	vadd.f32 $1.000000000e+00, v1;
	_ =	sdelay $0x1  }
0x8a: {  	v2 =	vadd.f32 $1.000000000e+00, v2;
	v1 =	vmul.f32 $5.000000000e-01, v1;
	_ =	sdelay $0x1  }
0x8b: {  	v2 =	vmul.f32 $5.000000000e-01, v2;
	v1 =	vmul.f32 $4.095000000e+03, v1;
	_ =	sdelay $0x1  }
0x8c: {  	v2 =	vmul.f32 $4.095000000e+03, v2;
	v3 =	vtrunc.f32 v1  }
0x8d: {  	v3 =	vcvt.f32.s32 v3  }
0x8e: {  	v4 =	vtrunc.f32 v2  }
0x8f: {  	v4 =	vcvt.f32.s32 v4;
	v5 =	vcvt.s32.f32 v3;
	_ =	sdelay $0x1  }
0x90: {  	v1 =	vsub.f32 v1, v5;
	v5 =	vcvt.s32.f32 v4;
	_ =	sdelay $0x1  }
0x91: {  	vm0 =	vge.f32 v1, $5.000000000e-01;
	v1 =	vsub.f32 v2, v5  }
0x92: {  	v2 =	vsel vm0, $0x1, v0  }
0x93: {  	v2 =	vadd.s32 v3, v2;
	vm0 =	vge.f32 v1, $5.000000000e-01  }
0x94: {  	vm1 =	vlt.s32 v2, $0xFFF;
	v1 =	vsel vm0, $0x1, v0  }
0x95: {  	v2 =	vnsel vm1, $0xFFF, v2;
	v1 =	vadd.s32 v4, v1  }
0x96: {  	vm0 =	vlt.s32 v1, $0xFFF;
	v3 =	vshll.u32 v2, $0xC;
	v2 =	vshll.u32 v2, $0x7  }
0x97: {  	v1 =	vnsel vm0, $0xFFF, v1;
	v3 =	vand.u32 $0xFFFF8000, v3;
	v2 =	vand.u32 $0x380, v2  }
.Ltmp2:
0x98: {  	v4 =	vshll.u32 v1, $0x3;
	v1 =	vand.u32 $0x7F, v1;
	v2 =	vor.u32 v3, v2;
	(pc) =	sbr.rel @p0 .LBB2_6-.Ltmp2, $4  }
0x99: {  	v3 =	vand.u32 $0xFFFFFC00, v4;
	v1 =	vor.u32 v1, v2  }
0x9a: {  	s21 =	sadd.s32 $0x10, s21;
	v1 =	vor.u32 v3, v1  }
0x9b: {  	s22 =	sadd.s32 $0x10, s22;
	[tilespmem:s21+$0xFFFFE000] =	vst v1;
	v2 =	vadd.s32 $0x1000000, v1;
	v1 =	vadd.s32 $0x2000000, v1  }
0x9c: {  	s25 =	sand.u32 $0x70, s22;
	s24 =	sand.u32 $0x1F00, s23;
	s23 =	sadd.s32 $0x20, s23;
	[tilespmem:s21+$0xFFFFF000] =	vst v2  }
0x9d: {  	s22 =	sor.u32 s25, s24;
	[tilespmem:s21+$0x0] =	vst v1  }
0x9e: {  	v1 =	vld [tilespmem:s22+$0x2000];
	_ =	sdelay $0x1  }
0x9f: {  	v2 =	vld [tilespmem:s22+$0x2080];
	_ =	sdelay $0x2  }
0xa0: {  	v1 =	vadd.f32 $1.000000000e+00, v1;
	_ =	sdelay $0x1  }
0xa1: {  	v2 =	vadd.f32 $1.000000000e+00, v2;
	v1 =	vmul.f32 $5.000000000e-01, v1;
	_ =	sdelay $0x1  }
0xa2: {  	v2 =	vmul.f32 $5.000000000e-01, v2;
	v1 =	vmul.f32 $4.095000000e+03, v1;
	_ =	sdelay $0x1  }
0xa3: {  	v2 =	vmul.f32 $4.095000000e+03, v2;
	v3 =	vtrunc.f32 v1  }
0xa4: {  	v3 =	vcvt.f32.s32 v3  }
0xa5: {  	v4 =	vtrunc.f32 v2  }
0xa6: {  	v4 =	vcvt.f32.s32 v4;
	v5 =	vcvt.s32.f32 v3;
	_ =	sdelay $0x1  }
0xa7: {  	v62 =	vcvt.s32.f32 v4;
	v1 =	vsub.f32 v1, v5;
	_ =	sdelay $0x1  }
0xa8: {  	vm0 =	vge.f32 v1, $5.000000000e-01;
	v1 =	vsub.f32 v2, v62  }
0xa9: {  	v2 =	vsel vm0, $0x1, v0  }
0xaa: {  	v2 =	vadd.s32 v3, v2;
	vm14 =	vge.f32 v1, $5.000000000e-01  }
0xab: {  	vm1 =	vlt.s32 v2, $0xFFF;
	v1 =	vsel vm14, $0x1, v0  }
0xac: {  	v2 =	vnsel vm1, $0xFFF, v2;
	v1 =	vadd.s32 v4, v1  }
0xad: {  	vm15 =	vlt.s32 v1, $0xFFF;
	v3 =	vshll.u32 v2, $0xC;
	v2 =	vshll.u32 v2, $0x7  }
0xae: {  	v1 =	vnsel vm15, $0xFFF, v1;
	v3 =	vand.u32 $0xFFFF8000, v3;
	v2 =	vand.u32 $0x380, v2  }
0xaf: {  	v63 =	vshll.u32 v1, $0x3;
	v1 =	vand.u32 $0x7F, v1;
	v2 =	vor.u32 v3, v2  }
0xb0: {  	v3 =	vand.u32 $0xFFFFFC00, v63;
	v1 =	vor.u32 v1, v2  }
0xb1: {  	s25 =	sadd.s32 $0x10, s21;
	v1 =	vor.u32 v3, v1  }
0xb2: {  	[tilespmem:s25+$0xFFFFE000] =	vst v1;
	v2 =	vadd.s32 $0x1000000, v1  }
0xb3: {  	v1 =	vadd.s32 $0x2000000, v1;
	[tilespmem:s25+$0xFFFFF000] =	vst v2  }
0xb4: {  	[tilespmem:s25+$0x0] =	vst v1  }
0xb5: {  	_ =	swait.ge [sflag:s15], $0x3000  }
0xb6: {  	[sflag:s15] =	ssyncset.done $0x0  }
0xb7: {  	s26 =	simm.s32 $0x0;
	[sflag:s15] =	ssyncadd.s32 $0xFFFFD000  }
0xb8: {  	[hbm4b:s8+s26] =	stream.linear.scatter [tilespmem:s16], [sflag:$0x3], $0x4000, $0x38;
	[tilespmem:$0x12000] =	vst v63  }
0xb9: {  	s21 =	simm.s32 $0x7000;
	s28 =	simm.s32 $0xE000  }
0xba: {  	[tilespmem:s28], [sflag:$0x2] =	stream.indirect.gather [hbm4b:s1+s14], $0x1, s21, s14, $0xb8;
	[tilespmem:$0x12000] =	vst v63  }
0xbb: {  	s29 =	simm.s32 $0xE080;
	s23 =	simm.s32 $0x8000;
	s30 =	simm.s32 $0xE100  }
0xbc: {  	[tilespmem:s29], [sflag:$0x2] =	stream.indirect.gather [hbm4b:s1+s14], $0x1, s23, s14, $0xb8;
	[tilespmem:$0x12000] =	vst v63  }
0xbd: {  	s31 =	simm.s32 $0x9000;
	s22 =	simm.s32 $0x200;
	s23 =	simm.s32 $0x1000  }
0xbe: {  	[tilespmem:s30], [sflag:$0x2] =	stream.indirect.gather [hbm4b:s1+s14], $0x1, s31, s14, $0xb8;
	[tilespmem:$0x12000] =	vst v63  }
.LBB2_8:
0xbf: {  	p0 =	sne.s32 s23, $0xF800;
	s24 =	sadd.s32 $0xE000, s22;
	s21 =	sadd.s32 $0x80, s21  }
0xc0: {  	[tilespmem:s24], [sflag:$0x2] =	stream.indirect.gather [hbm4b:s1+s14], $0x1, s21, s14, $0xb8;
	[tilespmem:$0x12000] =	vst v63  }
.Ltmp3:
0xc1: {  	s24 =	sadd.s32 $0xE080, s22;
	s25 =	sadd.s32 $0x1000, s21;
	(pc) =	sbr.rel @p0 .LBB2_8-.Ltmp3, $4  }
0xc2: {  	[tilespmem:s24], [sflag:$0x2] =	stream.indirect.gather [hbm4b:s1+s14], $0x1, s25, s14, $0xb8;
	[tilespmem:$0x12000] =	vst v63  }
0xc3: {  	s22 =	sadd.s32 $0xE100, s22;
	s24 =	sadd.s32 $0x2000, s21  }
0xc4: {  	[tilespmem:s22], [sflag:$0x2] =	stream.indirect.gather [hbm4b:s1+s14], $0x1, s24, s14, $0xb8;
	[tilespmem:$0x12000] =	vst v63  }
0xc5: {  	s22 =	sshra.s32 s23, $0x2;
	s23 =	sadd.s32 $0x800, s23  }
0xc6: {  	s23 =	sadd.s32 $0xE000, s22;
	s21 =	sadd.s32 $0x80, s21  }
0xc7: {  	[tilespmem:s23], [sflag:$0x2] =	stream.indirect.gather [hbm4b:s1+s14], $0x1, s21, s14, $0xb8;
	[tilespmem:$0x12000] =	vst v63  }
0xc8: {  	s30 =	sadd.s32 $0xE080, s22;
	s24 =	sadd.s32 $0x1000, s21  }
0xc9: {  	[tilespmem:s30], [sflag:$0x2] =	stream.indirect.gather [hbm4b:s1+s14], $0x1, s24, s14, $0xb8;
	[tilespmem:$0x12000] =	vst v63  }
0xca: {  	s31 =	sadd.s32 $0xE100, s22;
	s21 =	sadd.s32 $0x2000, s21  }
0xcb: {  	[tilespmem:s31], [sflag:$0x2] =	stream.indirect.gather [hbm4b:s1+s14], $0x1, s21, s14, $0xb8;
	[tilespmem:$0x12000] =	vst v63  }
0xcc: {  	s21 =	simm.s32 $0x1  }
.LBB2_10:
0xcd: {  	s22 =	sshll.u32 s21, $0xB  }
0xce: {  	s23 =	simm.s32 $0x0;
	s22 =	sadd.s32 s22, s6  }
0xcf: {  	[tilespmem:s13], [sflag:$0x1] =	stream.linear.gather [hbm4b:s22+s23], $0x2000, $0x38;
	[tilespmem:$0x12000] =	vst v63  }
0xd0: {  	_ =	swait.ge [sflag:s12], $0x2000  }
0xd1: {  	s31 =	sand.u32 $0x1F00, s23;
	s23 =	sand.u32 $0x70, s23;
	[sflag:s12] =	ssyncset.done $0x0  }
0xd2: {  	s22 =	sor.u32 s23, s31;
	[sflag:s12] =	ssyncadd.s32 $0xFFFFE000  }
0xd3: {  	v1 =	vld [tilespmem:s22+$0x0];
	_ =	sdelay $0x1  }
0xd4: {  	v2 =	vld [tilespmem:s22+$0x80];
	_ =	sdelay $0x2  }
0xd5: {  	v1 =	vadd.f32 $1.000000000e+00, v1;
	_ =	sdelay $0x1  }
0xd6: {  	v2 =	vadd.f32 $1.000000000e+00, v2;
	v1 =	vmul.f32 $5.000000000e-01, v1;
	_ =	sdelay $0x1  }
0xd7: {  	v2 =	vmul.f32 $5.000000000e-01, v2;
	v1 =	vmul.f32 $4.095000000e+03, v1;
	_ =	sdelay $0x1  }
0xd8: {  	v2 =	vmul.f32 $4.095000000e+03, v2;
	v3 =	vtrunc.f32 v1  }
0xd9: {  	v3 =	vcvt.f32.s32 v3  }
0xda: {  	v4 =	vtrunc.f32 v2  }
0xdb: {  	v4 =	vcvt.f32.s32 v4;
	v5 =	vcvt.s32.f32 v3;
	_ =	sdelay $0x1  }
0xdc: {  	v62 =	vcvt.s32.f32 v4;
	v1 =	vsub.f32 v1, v5;
	_ =	sdelay $0x1  }
0xdd: {  	vm0 =	vge.f32 v1, $5.000000000e-01;
	v1 =	vsub.f32 v2, v62  }
0xde: {  	v2 =	vsel vm0, $0x1, v0  }
0xdf: {  	v2 =	vadd.s32 v3, v2;
	vm14 =	vge.f32 v1, $5.000000000e-01  }
0xe0: {  	vm1 =	vlt.s32 v2, $0xFFF;
	v1 =	vsel vm14, $0x1, v0  }
0xe1: {  	v2 =	vnsel vm1, $0xFFF, v2;
	v1 =	vadd.s32 v4, v1  }
0xe2: {  	vm15 =	vlt.s32 v1, $0xFFF;
	v3 =	vshll.u32 v2, $0xC;
	v2 =	vshll.u32 v2, $0x7  }
0xe3: {  	v1 =	vnsel vm15, $0xFFF, v1;
	v3 =	vand.u32 $0xFFFF8000, v3;
	v2 =	vand.u32 $0x380, v2  }
0xe4: {  	v63 =	vshll.u32 v1, $0x3;
	v1 =	vand.u32 $0x7F, v1;
	v2 =	vor.u32 v3, v2  }
0xe5: {  	v3 =	vand.u32 $0xFFFFFC00, v63;
	v1 =	vor.u32 v1, v2  }
0xe6: {  	s22 =	simm.s32 $0x6000;
	v1 =	vor.u32 v3, v1  }
0xe7: {  	s24 =	simm.s32 $0x20;
	s23 =	simm.s32 $0x10;
	[tilespmem:s22+$0xFFFFE000] =	vst v1;
	v2 =	vadd.s32 $0x1000000, v1  }
0xe8: {  	s25 =	sand.u32 $0x1F00, s24;
	s24 =	simm.s32 $0x40;
	s26 =	sand.u32 $0x70, s23;
	v1 =	vadd.s32 $0x2000000, v1;
	[tilespmem:s22+$0xFFFFF000] =	vst v2  }
.LBB2_11:
0xe9: {  	p0 =	sne.s32 s24, $0x1FE0;
	s25 =	sor.u32 s26, s25;
	[tilespmem:s22+$0x0] =	vst v1  }
0xea: {  	v1 =	vld [tilespmem:s25+$0x0]  }
0xeb: {  	v2 =	vld [tilespmem:s25+$0x80];
	_ =	sdelay $0x3  }
0xec: {  	v1 =	vadd.f32 $1.000000000e+00, v1;
	_ =	sdelay $0x1  }
0xed: {  	v2 =	vadd.f32 $1.000000000e+00, v2;
	v1 =	vmul.f32 $5.000000000e-01, v1;
	_ =	sdelay $0x1  }
0xee: {  	v2 =	vmul.f32 $5.000000000e-01, v2;
	v1 =	vmul.f32 $4.095000000e+03, v1;
	_ =	sdelay $0x1  }
0xef: {  	v2 =	vmul.f32 $4.095000000e+03, v2;
	v3 =	vtrunc.f32 v1  }
0xf0: {  	v3 =	vcvt.f32.s32 v3  }
0xf1: {  	v4 =	vtrunc.f32 v2  }
0xf2: {  	v4 =	vcvt.f32.s32 v4;
	v5 =	vcvt.s32.f32 v3;
	_ =	sdelay $0x1  }
0xf3: {  	v1 =	vsub.f32 v1, v5;
	v5 =	vcvt.s32.f32 v4;
	_ =	sdelay $0x1  }
0xf4: {  	vm0 =	vge.f32 v1, $5.000000000e-01;
	v1 =	vsub.f32 v2, v5  }
0xf5: {  	v2 =	vsel vm0, $0x1, v0  }
0xf6: {  	v2 =	vadd.s32 v3, v2;
	vm0 =	vge.f32 v1, $5.000000000e-01  }
0xf7: {  	vm1 =	vlt.s32 v2, $0xFFF;
	v1 =	vsel vm0, $0x1, v0  }
0xf8: {  	v2 =	vnsel vm1, $0xFFF, v2;
	v1 =	vadd.s32 v4, v1  }
0xf9: {  	vm0 =	vlt.s32 v1, $0xFFF;
	v3 =	vshll.u32 v2, $0xC;
	v2 =	vshll.u32 v2, $0x7  }
0xfa: {  	v1 =	vnsel vm0, $0xFFF, v1;
	v3 =	vand.u32 $0xFFFF8000, v3;
	v2 =	vand.u32 $0x380, v2  }
.Ltmp4:
0xfb: {  	v4 =	vshll.u32 v1, $0x3;
	v1 =	vand.u32 $0x7F, v1;
	v2 =	vor.u32 v3, v2;
	(pc) =	sbr.rel @p0 .LBB2_11-.Ltmp4, $4  }
0xfc: {  	v3 =	vand.u32 $0xFFFFFC00, v4;
	v1 =	vor.u32 v1, v2  }
0xfd: {  	s22 =	sadd.s32 $0x10, s22;
	v1 =	vor.u32 v3, v1  }
0xfe: {  	s23 =	sadd.s32 $0x10, s23;
	[tilespmem:s22+$0xFFFFE000] =	vst v1;
	v2 =	vadd.s32 $0x1000000, v1;
	v1 =	vadd.s32 $0x2000000, v1  }
0xff: {  	s26 =	sand.u32 $0x70, s23;
	s25 =	sand.u32 $0x1F00, s24;
	s24 =	sadd.s32 $0x20, s24;
	[tilespmem:s22+$0xFFFFF000] =	vst v2  }
0x100: {  	s23 =	sor.u32 s26, s25;
	[tilespmem:s22+$0x0] =	vst v1  }
0x101: {  	v1 =	vld [tilespmem:s23+$0x0];
	_ =	sdelay $0x1  }
0x102: {  	v2 =	vld [tilespmem:s23+$0x80];
	_ =	sdelay $0x2  }
0x103: {  	v1 =	vadd.f32 $1.000000000e+00, v1;
	_ =	sdelay $0x1  }
0x104: {  	v2 =	vadd.f32 $1.000000000e+00, v2;
	v1 =	vmul.f32 $5.000000000e-01, v1;
	_ =	sdelay $0x1  }
0x105: {  	v2 =	vmul.f32 $5.000000000e-01, v2;
	v1 =	vmul.f32 $4.095000000e+03, v1;
	_ =	sdelay $0x1  }
0x106: {  	v2 =	vmul.f32 $4.095000000e+03, v2;
	v3 =	vtrunc.f32 v1  }
0x107: {  	v3 =	vcvt.f32.s32 v3  }
0x108: {  	v4 =	vtrunc.f32 v2  }
0x109: {  	v4 =	vcvt.f32.s32 v4;
	v5 =	vcvt.s32.f32 v3;
	_ =	sdelay $0x1  }
0x10a: {  	v62 =	vcvt.s32.f32 v4;
	v1 =	vsub.f32 v1, v5;
	_ =	sdelay $0x1  }
0x10b: {  	vm0 =	vge.f32 v1, $5.000000000e-01;
	v1 =	vsub.f32 v2, v62  }
0x10c: {  	v2 =	vsel vm0, $0x1, v0  }
0x10d: {  	v2 =	vadd.s32 v3, v2;
	vm14 =	vge.f32 v1, $5.000000000e-01  }
0x10e: {  	vm1 =	vlt.s32 v2, $0xFFF;
	v1 =	vsel vm14, $0x1, v0  }
0x10f: {  	v2 =	vnsel vm1, $0xFFF, v2;
	v1 =	vadd.s32 v4, v1  }
0x110: {  	vm15 =	vlt.s32 v1, $0xFFF;
	v3 =	vshll.u32 v2, $0xC;
	v2 =	vshll.u32 v2, $0x7  }
0x111: {  	v1 =	vnsel vm15, $0xFFF, v1;
	v3 =	vand.u32 $0xFFFF8000, v3;
	v2 =	vand.u32 $0x380, v2  }
0x112: {  	v63 =	vshll.u32 v1, $0x3;
	v1 =	vand.u32 $0x7F, v1;
	v2 =	vor.u32 v3, v2  }
0x113: {  	v3 =	vand.u32 $0xFFFFFC00, v63;
	v1 =	vor.u32 v1, v2  }
0x114: {  	s24 =	sadd.s32 $0x10, s22;
	v1 =	vor.u32 v3, v1  }
0x115: {  	[tilespmem:s24+$0xFFFFE000] =	vst v1;
	v2 =	vadd.s32 $0x1000000, v1  }
0x116: {  	v1 =	vadd.s32 $0x2000000, v1;
	[tilespmem:s24+$0xFFFFF000] =	vst v2  }
0x117: {  	s22 =	sshll.u32 s21, $0xC;
	[tilespmem:s24+$0x0] =	vst v1  }
0x118: {  	s25 =	sadd.s32 s22, s9;
	_ =	swait.ge [sflag:s15], $0x3000  }
0x119: {  	s23 =	sand.u32 $0x1FFFF800, s25;
	[sflag:s15] =	ssyncset.done $0x0  }
0x11a: {  	s23 =	sadd.s32 s4, s23;
	s24 =	simm.s32 $0x0;
	[sflag:s15] =	ssyncadd.s32 $0xFFFFD000  }
0x11b: {  	[hbm4b:s23+s24] =	stream.linear.scatter [tilespmem:s17], [sflag:$0x4], $0x4000, $0x38;
	[tilespmem:$0x12000] =	vst v63  }
0x11c: {  	_ =	swait.ge [sflag:s18], $0x4000  }
0x11d: {  	[sflag:s18] =	ssyncset.done $0x0  }
0x11e: {  	s26 =	simm.s32 $0xA000;
	s23 =	simm.s32 $0x4000;
	[sflag:s18] =	ssyncadd.s32 $0xFFFFC000  }
0x11f: {  	[tilespmem:s26], [sflag:$0x2] =	stream.indirect.gather [hbm4b:s1+s14], $0x1, s23, s14, $0xb8;
	[tilespmem:$0x12000] =	vst v63  }
0x120: {  	s28 =	simm.s32 $0xA080;
	s29 =	simm.s32 $0x5000;
	s30 =	simm.s32 $0xA100  }
0x121: {  	[tilespmem:s28], [sflag:$0x2] =	stream.indirect.gather [hbm4b:s1+s14], $0x1, s29, s14, $0xb8;
	[tilespmem:$0x12000] =	vst v63  }
0x122: {  	s31 =	simm.s32 $0x6000;
	s25 =	simm.s32 $0x1000;
	s24 =	simm.s32 $0x200  }
0x123: {  	[tilespmem:s30], [sflag:$0x2] =	stream.indirect.gather [hbm4b:s1+s14], $0x1, s31, s14, $0xb8;
	[tilespmem:$0x12000] =	vst v63  }
.LBB2_13:
0x124: {  	p0 =	sne.s32 s25, $0xF800;
	s26 =	sadd.s32 $0xA000, s24;
	s23 =	sadd.s32 $0x80, s23  }
0x125: {  	[tilespmem:s26], [sflag:$0x2] =	stream.indirect.gather [hbm4b:s1+s14], $0x1, s23, s14, $0xb8;
	[tilespmem:$0x12000] =	vst v63  }
.Ltmp5:
0x126: {  	s26 =	sadd.s32 $0xA080, s24;
	s28 =	sadd.s32 $0x1000, s23;
	(pc) =	sbr.rel @p0 .LBB2_13-.Ltmp5, $4  }
0x127: {  	[tilespmem:s26], [sflag:$0x2] =	stream.indirect.gather [hbm4b:s1+s14], $0x1, s28, s14, $0xb8;
	[tilespmem:$0x12000] =	vst v63  }
0x128: {  	s24 =	sadd.s32 $0xA100, s24;
	s26 =	sadd.s32 $0x2000, s23  }
0x129: {  	[tilespmem:s24], [sflag:$0x2] =	stream.indirect.gather [hbm4b:s1+s14], $0x1, s26, s14, $0xb8;
	[tilespmem:$0x12000] =	vst v63  }
0x12a: {  	s24 =	sshra.s32 s25, $0x2;
	s25 =	sadd.s32 $0x800, s25  }
0x12b: {  	s25 =	sadd.s32 $0xA000, s24;
	s23 =	sadd.s32 $0x80, s23  }
0x12c: {  	[tilespmem:s25], [sflag:$0x2] =	stream.indirect.gather [hbm4b:s1+s14], $0x1, s23, s14, $0xb8;
	[tilespmem:$0x12000] =	vst v63  }
0x12d: {  	s31 =	sadd.s32 $0xA080, s24;
	s26 =	sadd.s32 $0x1000, s23  }
0x12e: {  	[tilespmem:s31], [sflag:$0x2] =	stream.indirect.gather [hbm4b:s1+s14], $0x1, s26, s14, $0xb8;
	[tilespmem:$0x12000] =	vst v63  }
0x12f: {  	s25 =	sadd.s32 $0xA100, s24;
	s23 =	sadd.s32 $0x2000, s23;
	s26 =	sshll.u32 s21, $0x1  }
0x130: {  	[tilespmem:s25], [sflag:$0x2] =	stream.indirect.gather [hbm4b:s1+s14], $0x1, s23, s14, $0xb8;
	[tilespmem:$0x12000] =	vst v63  }
0x131: {  	s23 =	smin.u32 s26, $0xD  }
0x132: {  	s23 =	sshll.u32 s23, $0xA  }
0x133: {  	s29 =	simm.s32 $0x0;
	s23 =	sadd.s32 s23, s7  }
0x134: {  	[tilespmem:s29], [sflag:$0x1] =	stream.linear.gather [hbm4b:s23+s29], $0x2000, $0x38;
	[tilespmem:$0x12000] =	vst v63  }
0x135: {  	_ =	swait.ge [sflag:s12], $0x2000  }
0x136: {  	s30 =	sand.u32 $0x1F00, s29;
	s24 =	sand.u32 $0x70, s29;
	[sflag:s12] =	ssyncset.done $0x0  }
0x137: {  	s23 =	sor.u32 s24, s30;
	[sflag:s12] =	ssyncadd.s32 $0xFFFFE000  }
0x138: {  	v1 =	vld [tilespmem:s23+$0x2000];
	_ =	sdelay $0x1  }
0x139: {  	v2 =	vld [tilespmem:s23+$0x2080];
	_ =	sdelay $0x2  }
0x13a: {  	v1 =	vadd.f32 $1.000000000e+00, v1;
	_ =	sdelay $0x1  }
0x13b: {  	v2 =	vadd.f32 $1.000000000e+00, v2;
	v1 =	vmul.f32 $5.000000000e-01, v1;
	_ =	sdelay $0x1  }
0x13c: {  	v2 =	vmul.f32 $5.000000000e-01, v2;
	v1 =	vmul.f32 $4.095000000e+03, v1;
	_ =	sdelay $0x1  }
0x13d: {  	v2 =	vmul.f32 $4.095000000e+03, v2;
	v3 =	vtrunc.f32 v1  }
0x13e: {  	v3 =	vcvt.f32.s32 v3  }
0x13f: {  	v4 =	vtrunc.f32 v2  }
0x140: {  	v4 =	vcvt.f32.s32 v4;
	v5 =	vcvt.s32.f32 v3;
	_ =	sdelay $0x1  }
0x141: {  	v62 =	vcvt.s32.f32 v4;
	v1 =	vsub.f32 v1, v5;
	_ =	sdelay $0x1  }
0x142: {  	vm0 =	vge.f32 v1, $5.000000000e-01;
	v1 =	vsub.f32 v2, v62  }
0x143: {  	v2 =	vsel vm0, $0x1, v0  }
0x144: {  	v2 =	vadd.s32 v3, v2;
	vm14 =	vge.f32 v1, $5.000000000e-01  }
0x145: {  	vm1 =	vlt.s32 v2, $0xFFF;
	v1 =	vsel vm14, $0x1, v0  }
0x146: {  	v2 =	vnsel vm1, $0xFFF, v2;
	v1 =	vadd.s32 v4, v1  }
0x147: {  	vm15 =	vlt.s32 v1, $0xFFF;
	v3 =	vshll.u32 v2, $0xC;
	v2 =	vshll.u32 v2, $0x7  }
0x148: {  	v1 =	vnsel vm15, $0xFFF, v1;
	v3 =	vand.u32 $0xFFFF8000, v3;
	v2 =	vand.u32 $0x380, v2  }
0x149: {  	v63 =	vshll.u32 v1, $0x3;
	v1 =	vand.u32 $0x7F, v1;
	v2 =	vor.u32 v3, v2  }
0x14a: {  	v3 =	vand.u32 $0xFFFFFC00, v63;
	v1 =	vor.u32 v1, v2  }
0x14b: {  	s23 =	simm.s32 $0x9000;
	v1 =	vor.u32 v3, v1  }
0x14c: {  	s31 =	simm.s32 $0x20;
	s24 =	simm.s32 $0x10;
	[tilespmem:s23+$0xFFFFE000] =	vst v1;
	v2 =	vadd.s32 $0x1000000, v1  }
0x14d: {  	s26 =	sand.u32 $0x1F00, s31;
	s25 =	simm.s32 $0x40;
	s28 =	sand.u32 $0x70, s24;
	v1 =	vadd.s32 $0x2000000, v1;
	[tilespmem:s23+$0xFFFFF000] =	vst v2  }
.LBB2_15:
0x14e: {  	p0 =	sne.s32 s25, $0x1FE0;
	s26 =	sor.u32 s28, s26;
	[tilespmem:s23+$0x0] =	vst v1  }
0x14f: {  	v1 =	vld [tilespmem:s26+$0x2000]  }
0x150: {  	v2 =	vld [tilespmem:s26+$0x2080];
	_ =	sdelay $0x3  }
0x151: {  	v1 =	vadd.f32 $1.000000000e+00, v1;
	_ =	sdelay $0x1  }
0x152: {  	v2 =	vadd.f32 $1.000000000e+00, v2;
	v1 =	vmul.f32 $5.000000000e-01, v1;
	_ =	sdelay $0x1  }
0x153: {  	v2 =	vmul.f32 $5.000000000e-01, v2;
	v1 =	vmul.f32 $4.095000000e+03, v1;
	_ =	sdelay $0x1  }
0x154: {  	v2 =	vmul.f32 $4.095000000e+03, v2;
	v3 =	vtrunc.f32 v1  }
0x155: {  	v3 =	vcvt.f32.s32 v3  }
0x156: {  	v4 =	vtrunc.f32 v2  }
0x157: {  	v4 =	vcvt.f32.s32 v4;
	v5 =	vcvt.s32.f32 v3;
	_ =	sdelay $0x1  }
0x158: {  	v1 =	vsub.f32 v1, v5;
	v5 =	vcvt.s32.f32 v4;
	_ =	sdelay $0x1  }
0x159: {  	vm0 =	vge.f32 v1, $5.000000000e-01;
	v1 =	vsub.f32 v2, v5  }
0x15a: {  	v2 =	vsel vm0, $0x1, v0  }
0x15b: {  	v2 =	vadd.s32 v3, v2;
	vm0 =	vge.f32 v1, $5.000000000e-01  }
0x15c: {  	vm1 =	vlt.s32 v2, $0xFFF;
	v1 =	vsel vm0, $0x1, v0  }
0x15d: {  	v2 =	vnsel vm1, $0xFFF, v2;
	v1 =	vadd.s32 v4, v1  }
0x15e: {  	vm0 =	vlt.s32 v1, $0xFFF;
	v3 =	vshll.u32 v2, $0xC;
	v2 =	vshll.u32 v2, $0x7  }
0x15f: {  	v1 =	vnsel vm0, $0xFFF, v1;
	v3 =	vand.u32 $0xFFFF8000, v3;
	v2 =	vand.u32 $0x380, v2  }
.Ltmp6:
0x160: {  	v4 =	vshll.u32 v1, $0x3;
	v1 =	vand.u32 $0x7F, v1;
	v2 =	vor.u32 v3, v2;
	(pc) =	sbr.rel @p0 .LBB2_15-.Ltmp6, $4  }
0x161: {  	v3 =	vand.u32 $0xFFFFFC00, v4;
	v1 =	vor.u32 v1, v2  }
0x162: {  	s23 =	sadd.s32 $0x10, s23;
	v1 =	vor.u32 v3, v1  }
0x163: {  	s24 =	sadd.s32 $0x10, s24;
	[tilespmem:s23+$0xFFFFE000] =	vst v1;
	v2 =	vadd.s32 $0x1000000, v1;
	v1 =	vadd.s32 $0x2000000, v1  }
0x164: {  	s28 =	sand.u32 $0x70, s24;
	s26 =	sand.u32 $0x1F00, s25;
	s25 =	sadd.s32 $0x20, s25;
	[tilespmem:s23+$0xFFFFF000] =	vst v2  }
0x165: {  	s24 =	sor.u32 s28, s26;
	[tilespmem:s23+$0x0] =	vst v1  }
0x166: {  	v1 =	vld [tilespmem:s24+$0x2000];
	_ =	sdelay $0x1  }
0x167: {  	v2 =	vld [tilespmem:s24+$0x2080];
	_ =	sdelay $0x2  }
0x168: {  	v1 =	vadd.f32 $1.000000000e+00, v1;
	_ =	sdelay $0x1  }
0x169: {  	v2 =	vadd.f32 $1.000000000e+00, v2;
	v1 =	vmul.f32 $5.000000000e-01, v1;
	_ =	sdelay $0x1  }
0x16a: {  	v2 =	vmul.f32 $5.000000000e-01, v2;
	v1 =	vmul.f32 $4.095000000e+03, v1;
	_ =	sdelay $0x1  }
0x16b: {  	v2 =	vmul.f32 $4.095000000e+03, v2;
	v3 =	vtrunc.f32 v1  }
0x16c: {  	v3 =	vcvt.f32.s32 v3  }
0x16d: {  	v4 =	vtrunc.f32 v2  }
0x16e: {  	v4 =	vcvt.f32.s32 v4;
	v5 =	vcvt.s32.f32 v3;
	_ =	sdelay $0x1  }
0x16f: {  	v62 =	vcvt.s32.f32 v4;
	v1 =	vsub.f32 v1, v5;
	_ =	sdelay $0x1  }
0x170: {  	vm0 =	vge.f32 v1, $5.000000000e-01;
	v1 =	vsub.f32 v2, v62  }
0x171: {  	v2 =	vsel vm0, $0x1, v0  }
0x172: {  	v2 =	vadd.s32 v3, v2;
	vm14 =	vge.f32 v1, $5.000000000e-01  }
0x173: {  	vm1 =	vlt.s32 v2, $0xFFF;
	v1 =	vsel vm14, $0x1, v0  }
0x174: {  	v2 =	vnsel vm1, $0xFFF, v2;
	v1 =	vadd.s32 v4, v1  }
0x175: {  	vm15 =	vlt.s32 v1, $0xFFF;
	v3 =	vshll.u32 v2, $0xC;
	v2 =	vshll.u32 v2, $0x7  }
0x176: {  	v1 =	vnsel vm15, $0xFFF, v1;
	v3 =	vand.u32 $0xFFFF8000, v3;
	v2 =	vand.u32 $0x380, v2  }
0x177: {  	v63 =	vshll.u32 v1, $0x3;
	v1 =	vand.u32 $0x7F, v1;
	v2 =	vor.u32 v3, v2  }
0x178: {  	v3 =	vand.u32 $0xFFFFFC00, v63;
	v1 =	vor.u32 v1, v2  }
0x179: {  	s24 =	sadd.s32 $0x10, s23;
	v1 =	vor.u32 v3, v1  }
0x17a: {  	[tilespmem:s24+$0xFFFFE000] =	vst v1;
	v2 =	vadd.s32 $0x1000000, v1  }
0x17b: {  	v1 =	vadd.s32 $0x2000000, v1;
	[tilespmem:s24+$0xFFFFF000] =	vst v2  }
0x17c: {  	[tilespmem:s24+$0x0] =	vst v1  }
0x17d: {  	_ =	swait.ge [sflag:s15], $0x3000  }
0x17e: {  	[sflag:s15] =	ssyncset.done $0x0  }
0x17f: {  	s22 =	sadd.s32 s22, s8;
	s25 =	simm.s32 $0x0;
	[sflag:s15] =	ssyncadd.s32 $0xFFFFD000  }
0x180: {  	[hbm4b:s22+s25] =	stream.linear.scatter [tilespmem:s16], [sflag:$0x3], $0x4000, $0x38;
	[tilespmem:$0x12000] =	vst v63  }
0x181: {  	_ =	swait.ge [sflag:s19], $0x4000  }
0x182: {  	[sflag:s19] =	ssyncset.done $0x0  }
0x183: {  	s26 =	simm.s32 $0xE000;
	s22 =	simm.s32 $0x7000;
	[sflag:s19] =	ssyncadd.s32 $0xFFFFC000  }
0x184: {  	[tilespmem:s26], [sflag:$0x2] =	stream.indirect.gather [hbm4b:s1+s14], $0x1, s22, s14, $0xb8;
	[tilespmem:$0x12000] =	vst v63  }
0x185: {  	s28 =	simm.s32 $0xE080;
	s29 =	simm.s32 $0x8000;
	s30 =	simm.s32 $0xE100  }
0x186: {  	[tilespmem:s28], [sflag:$0x2] =	stream.indirect.gather [hbm4b:s1+s14], $0x1, s29, s14, $0xb8;
	[tilespmem:$0x12000] =	vst v63  }
0x187: {  	s31 =	simm.s32 $0x9000;
	s23 =	simm.s32 $0x200;
	s24 =	simm.s32 $0x1000  }
0x188: {  	[tilespmem:s30], [sflag:$0x2] =	stream.indirect.gather [hbm4b:s1+s14], $0x1, s31, s14, $0xb8;
	[tilespmem:$0x12000] =	vst v63  }
.LBB2_17:
0x189: {  	p0 =	sne.s32 s24, $0xF800;
	s25 =	sadd.s32 $0xE000, s23;
	s22 =	sadd.s32 $0x80, s22  }
0x18a: {  	[tilespmem:s25], [sflag:$0x2] =	stream.indirect.gather [hbm4b:s1+s14], $0x1, s22, s14, $0xb8;
	[tilespmem:$0x12000] =	vst v63  }
.Ltmp7:
0x18b: {  	s25 =	sadd.s32 $0xE080, s23;
	s26 =	sadd.s32 $0x1000, s22;
	(pc) =	sbr.rel @p0 .LBB2_17-.Ltmp7, $4  }
0x18c: {  	[tilespmem:s25], [sflag:$0x2] =	stream.indirect.gather [hbm4b:s1+s14], $0x1, s26, s14, $0xb8;
	[tilespmem:$0x12000] =	vst v63  }
0x18d: {  	s23 =	sadd.s32 $0xE100, s23;
	s25 =	sadd.s32 $0x2000, s22  }
0x18e: {  	[tilespmem:s23], [sflag:$0x2] =	stream.indirect.gather [hbm4b:s1+s14], $0x1, s25, s14, $0xb8;
	[tilespmem:$0x12000] =	vst v63  }
0x18f: {  	s23 =	sshra.s32 s24, $0x2;
	s24 =	sadd.s32 $0x800, s24  }
0x190: {  	s24 =	sadd.s32 $0xE000, s23;
	s22 =	sadd.s32 $0x80, s22;
	s21 =	sadd.s32 $0x1, s21  }
0x191: {  	[tilespmem:s24], [sflag:$0x2] =	stream.indirect.gather [hbm4b:s1+s14], $0x1, s22, s14, $0xb8;
	[tilespmem:$0x12000] =	vst v63  }
0x192: {  	p0 =	sne.s32 s21, $0x8  }
.Ltmp8:
0x193: {  	_ = 	snop;
	(pc) =	sbr.rel @p0 .LBB2_10-.Ltmp8, $4  }
0x194: {  	s30 =	sadd.s32 $0xE080, s23;
	s25 =	sadd.s32 $0x1000, s22  }
0x195: {  	[tilespmem:s30], [sflag:$0x2] =	stream.indirect.gather [hbm4b:s1+s14], $0x1, s25, s14, $0xb8;
	[tilespmem:$0x12000] =	vst v63  }
0x196: {  	s31 =	sadd.s32 $0xE100, s23;
	s22 =	sadd.s32 $0x2000, s22  }
0x197: {  	[tilespmem:s31], [sflag:$0x2] =	stream.indirect.gather [hbm4b:s1+s14], $0x1, s22, s14, $0xb8;
	[tilespmem:$0x12000] =	vst v63  }
0x198: {  	_ =	swait.ge [sflag:s15], $0x3000  }
0x199: {  	[sflag:s15] =	ssyncset.done $0x0  }
0x19a: {  	[sflag:s15] =	ssyncadd.s32 $0xFFFFD000  }
0x19b: {  	[hbm4b:s10+s3] =	stream.linear.scatter [tilespmem:s17], [sflag:$0x4], $0x4000, $0x38;
	[tilespmem:$0x12000] =	vst v63  }
0x19c: {  	_ =	swait.ge [sflag:s18], $0x4000  }
0x19d: {  	[sflag:s18] =	ssyncset.done $0x0  }
0x19e: {  	s20 =	sadd.s32 $0x1, s20;
	[sflag:s18] =	ssyncadd.s32 $0xFFFFC000  }
0x19f: {  	p0 =	sne.s32 s20, s11;
	_ =	swait.ge [sflag:s19], $0x4000  }
.Ltmp9:
0x1a0: {  	[sflag:s19] =	ssyncset.done $0x0;
	(pc) =	sbr.rel @p0 .LBB2_1-.Ltmp9, $4  }
0x1a1: {  	[sflag:s19] =	ssyncadd.s32 $0xFFFFC000  }
0x1a2: {  	_ =	swait.ge [sflag:s12], $0x2000  }
0x1a3: {  	[sflag:s12] =	ssyncset.done $0x0  }
0x1a4: {  	[sflag:s12] =	ssyncadd.s32 $0xFFFFE000  }
0x1a5: {  	_ =	sfence.sel $0x180000  }
0x1a6: {  	[bflag:$0x0] =	sbarrier.arrive $0xFFFF  }
0x1a7: {  	p0 =	sne.s32 s2, $0x0;
	_ =	strace $0x90000047  }
0x1a8: {  	s0 =	sadd.s32 @!p0 $0x100000, s0;
	[bflag:$0x2] =	sbarrier.arrive $0xFFFF  }
0x1a9: {  	[sflag:s0] =	ssyncadd.tile.s32 @!p0 $0x1;
	_ =	shalt  }
.Lfunc_end2:
_tile_overlayer_lowered:
.L_overlay_start_2:
0x1aa: {  	(tag) =	ssettag $0x2  }
0x1ab: {  	s0 =	rddreg [dreg:$0x0];
	s2 =	stileid.u32  }
0x1ac: {  	s1 =	rddreg [dreg:$0x1];
	p0 =	sne.s32 s2, $0x0  }
0x1ad: {  	s3 =	rddreg [dreg:$0x2];
	[bflag:$0x3] =	sbarrier.arrive $0xFFFF;
	s2 =	simm.s32 @!p0 $0x1C05  }
0x1ae: {  	[timem:s3], [sflag:s2] =	dma.local @!p0 [hbm:s0], s1  }
0x1af: {  	s0 =	simm.s32 @!p0 $0x5  }
0x1b0: {  	_ =	swait.ge @!p0 [sflag:s0], s1  }
0x1b1: {  	s1 =	ssub.s32 @!p0 $0x0, s1;
	[sflag:s0] =	ssyncset.done @!p0 $0x0  }
0x1b2: {  	[sflag:s0] =	ssyncadd.s32 @!p0 s1  }
0x1b3: {  	[bflag:$0x3] =	sbarrier.arrive $0xFFFF  }
0x1b4: {  	_ =	shalt  }

</sc_bundles>
